<compile_context>
chip_gen: v7x
topology: tpu7x:2x2x1
jax: 0.10.2.dev20260603
libtpu: 0.0.44.dev20260713+nightly
codegen_flags: <defaults>
</compile_context>

<pallas_src>
import functools

import jax
import jax.numpy as jnp
from jax import lax
from jax.experimental import pallas as pl
from jax.experimental.pallas import tpu as pltpu
from jax.experimental.pallas import tpu_sc as plsc

N_NODES = 10000
N_EDGES = 160000
D_IN = 256
D_HID = 256
D_OUT = 64

NC = 2
NS = 16
EPT = N_EDGES // NS
CH = 100
NCHUNK = EPT // CH
NPT = N_NODES // NS
NPAD = 10240
BM = 512
GRID_M = NPAD // BM


def _sc_mesh():
    return plsc.VectorSubcoreMesh(
        core_axis_name="c", subcore_axis_name="s", num_cores=NC, num_subcores=NS
    )


def _sc_params():
    return pltpu.CompilerParams(
        needs_layout_passes=False, use_tc_tiling_on_sc=False
    )


def _deg_body(adjs_hbm, out_hbm, idx_v, hist_v):
    cid = lax.axis_index("c")
    tid = lax.axis_index("s")
    pltpu.sync_copy(adjs_hbm.at[cid, tid], idx_v)
    zero = jnp.zeros((16,), jnp.float32)

    @pl.loop(0, NPAD // 16)
    def _zero(i):
        hist_v[pl.ds(i * 16, 16)] = zero

    one = jnp.ones((16,), jnp.float32)

    @pl.loop(0, EPT // 16)
    def _count(i):
        plsc.addupdate_scatter(hist_v, [idx_v[pl.ds(i * 16, 16)]], one)

    pltpu.sync_copy(hist_v, out_hbm.at[cid, tid])


@functools.cache
def _deg():
    return pl.kernel(
        _deg_body,
        out_type=jax.ShapeDtypeStruct((NC, NS, NPAD), jnp.float32),
        mesh=_sc_mesh(),
        scratch_types=[
            pltpu.VMEM((EPT,), jnp.int32),
            pltpu.VMEM((NPAD,), jnp.float32),
        ],
        compiler_params=_sc_params(),
    )


@functools.cache
def _make_agg(D):
    def body(h_hbm, adjs_hbm, zeros_hbm, out_hbm, sidx, didx, buf, acc, sem0, sem1):
        cid = lax.axis_index("c")
        tid = lax.axis_index("s")
        pltpu.sync_copy(adjs_hbm.at[0, tid], sidx)
        pltpu.sync_copy(adjs_hbm.at[1, tid], didx)
        pltpu.sync_copy(
            zeros_hbm.at[pl.ds(tid * NPT, NPT)], acc.at[pl.ds(tid * NPT, NPT)]
        )
        plsc.subcore_barrier()

        table = h_hbm.at[cid]
        sems = (sem0, sem1)
        for b in range(2):
            pltpu.async_copy(table.at[sidx.at[b]], buf.at[b], sems[b])

        @pl.loop(0, NCHUNK, step=2)
        def _chunks(j):
            for b in range(2):
                jj = j + b
                pltpu.make_async_copy(table.at[sidx.at[jj]], buf.at[b], sems[b]).wait()
                pltpu.sync_copy(buf.at[b], acc.at[didx.at[jj]], add=True)

                @pl.when(jj + 2 < NCHUNK)
                def _next():
                    pltpu.async_copy(table.at[sidx.at[jj + 2]], buf.at[b], sems[b])

        plsc.subcore_barrier()
        pltpu.sync_copy(
            acc.at[pl.ds(tid * NPT, NPT)], out_hbm.at[cid, pl.ds(tid * NPT, NPT)]
        )

    return pl.kernel(
        body,
        out_type=jax.ShapeDtypeStruct((NC, NPAD, D), jnp.float32),
        mesh=_sc_mesh(),
        scratch_types=[
            pltpu.VMEM((NCHUNK, CH), jnp.int32),
            pltpu.VMEM((NCHUNK, CH), jnp.int32),
            pltpu.VMEM((2, CH, D), jnp.float32),
            pltpu.MemorySpace.VMEM_SHARED((N_NODES, D), jnp.float32),
            pltpu.SemaphoreType.DMA,
            pltpu.SemaphoreType.DMA,
        ],
        compiler_params=_sc_params(),
    )


def _mm1_body(x_ref, degs_ref, w_ref, o_ref):
    a = lax.rsqrt(jnp.maximum(jnp.sum(degs_ref[...], axis=0), 1.0))
    g = jnp.dot(x_ref[...] * a[:, None], w_ref[...], preferred_element_type=jnp.float32)
    o_ref[0] = g[:, :128]
    o_ref[1] = g[:, 128:]


_mm1 = pl.pallas_call(
    _mm1_body,
    grid=(GRID_M,),
    in_specs=[
        pl.BlockSpec((BM, D_IN), lambda m: (m, 0)),
        pl.BlockSpec((NS, BM), lambda m: (0, m)),
        pl.BlockSpec((D_IN, D_HID), lambda m: (0, 0)),
    ],
    out_specs=pl.BlockSpec((NC, BM, 128), lambda m: (0, m, 0)),
    out_shape=jax.ShapeDtypeStruct((NC, NPAD, 128), jnp.float32),
)


def _mm_mid_body(s_ref, degs_ref, degd_ref, b_ref, w_ref, o_ref):
    a = lax.rsqrt(jnp.maximum(jnp.sum(degs_ref[...], axis=0), 1.0))
    c = lax.rsqrt(jnp.maximum(jnp.sum(degd_ref[...], axis=0), 1.0))
    s = jnp.concatenate([s_ref[0], s_ref[1]], axis=-1)
    h = jnp.maximum(c[:, None] * s + b_ref[...][None, :], 0.0)
    g = jnp.dot(h * a[:, None], w_ref[...], preferred_element_type=jnp.float32)
    half = g.shape[-1] // 2
    o_ref[0] = g[:, :half]
    o_ref[1] = g[:, half:]


def _make_mm_mid(d_out):
    return pl.pallas_call(
        _mm_mid_body,
        grid=(GRID_M,),
        in_specs=[
            pl.BlockSpec((NC, BM, 128), lambda m: (0, m, 0)),
            pl.BlockSpec((NS, BM), lambda m: (0, m)),
            pl.BlockSpec((NS, BM), lambda m: (0, m)),
            pl.BlockSpec((D_HID,), lambda m: (0,)),
            pl.BlockSpec((D_HID, d_out), lambda m: (0, 0)),
        ],
        out_specs=pl.BlockSpec((NC, BM, d_out // 2), lambda m: (0, m, 0)),
        out_shape=jax.ShapeDtypeStruct((NC, NPAD, d_out // 2), jnp.float32),
    )


_mm2 = _make_mm_mid(D_HID)
_mm3 = _make_mm_mid(D_OUT)


def _final_body(s_ref, degd_ref, b_ref, o_ref):
    c = lax.rsqrt(jnp.maximum(jnp.sum(degd_ref[...], axis=0), 1.0))
    s = jnp.concatenate([s_ref[0], s_ref[1]], axis=-1)
    o_ref[...] = c[:, None] * s + b_ref[...][None, :]


_final = pl.pallas_call(
    _final_body,
    grid=(GRID_M,),
    in_specs=[
        pl.BlockSpec((NC, BM, D_OUT // 2), lambda m: (0, m, 0)),
        pl.BlockSpec((NS, BM), lambda m: (0, m)),
        pl.BlockSpec((D_OUT,), lambda m: (0,)),
    ],
    out_specs=pl.BlockSpec((BM, D_OUT), lambda m: (m, 0)),
    out_shape=jax.ShapeDtypeStruct((N_NODES, D_OUT), jnp.float32),
)


def kernel(x, adjs, W1, b1, W2, b2, W3, b3):
    adjs_deg = adjs.reshape(NC, NS, EPT)
    adjs_agg = adjs.reshape(2, NS, NCHUNK, CH)
    deg = _deg()(adjs_deg)
    degs, degd = deg[0], deg[1]

    z128 = jnp.zeros((N_NODES, 128), jnp.float32)
    z32 = jnp.zeros((N_NODES, 32), jnp.float32)

    g1 = _mm1(x, degs, W1)
    s1 = _make_agg(128)(g1, adjs_agg, z128)
    g2 = _mm2(s1, degs, degd, b1, W2)
    s2 = _make_agg(128)(g2, adjs_agg, z128)
    g3 = _mm3(s2, degs, degd, b2, W3)
    s3 = _make_agg(32)(g3, adjs_agg, z32)
    return _final(s3, degd, b3)

# --- scband reference (transcript-rebuilt; emitter-appended) ---
"""Pipeline reference for scband-gcn-6545530159140 (READ-ONLY COPY).

The authoritative reference and input builder live on the scoring server;
editing this copy changes nothing except your own understanding.
"""

import jax, jax.numpy as jnp
import numpy as np

N_NODES = 10000
N_EDGES = 160000
D_IN = 256
D_HID = 256
D_OUT = 64


def setup_inputs(seed: int = 0) -> dict:
    key = jax.random.key(seed)
    ks = jax.random.split(key, 9)
    x = jax.random.normal(ks[0], (N_NODES, D_IN), dtype=jnp.float32)
    adjs = jax.random.randint(ks[1], (2, N_EDGES), 0, N_NODES, dtype=jnp.int32)
    W1 = jax.random.normal(ks[2], (D_IN, D_HID), dtype=jnp.float32) * 0.05
    b1 = jnp.zeros((D_HID,), dtype=jnp.float32)
    W2 = jax.random.normal(ks[3], (D_HID, D_HID), dtype=jnp.float32) * 0.05
    b2 = jnp.zeros((D_HID,), dtype=jnp.float32)
    W3 = jax.random.normal(ks[4], (D_HID, D_OUT), dtype=jnp.float32) * 0.05
    b3 = jnp.zeros((D_OUT,), dtype=jnp.float32)
    return {"x": x, "adjs": adjs, "W1": W1, "b1": b1, "W2": W2, "b2": b2, "W3": W3, "b3": b3}


def _gcn_layer(h, src, dst, norm, W, b):
    # GConv: symmetric-normalized aggregation of linearly transformed features
    h = h @ W
    msg = h[src] * norm[:, None]
    out = jax.ops.segment_sum(msg, dst, num_segments=N_NODES)
    return out + b


def reference(x, adjs, W1, b1, W2, b2, W3, b3):
    src = adjs[0]
    dst = adjs[1]
    deg_out = jax.ops.segment_sum(jnp.ones((N_EDGES,), dtype=jnp.float32), src, num_segments=N_NODES)
    deg_in = jax.ops.segment_sum(jnp.ones((N_EDGES,), dtype=jnp.float32), dst, num_segments=N_NODES)
    inv_sqrt_out = jax.lax.rsqrt(jnp.maximum(deg_out, 1.0))
    inv_sqrt_in = jax.lax.rsqrt(jnp.maximum(deg_in, 1.0))
    norm = inv_sqrt_out[src] * inv_sqrt_in[dst]

    h = _gcn_layer(x, src, dst, norm, W1, b1)
    h = jax.nn.relu(h)
    h = _gcn_layer(h, src, dst, norm, W2, b2)
    h = jax.nn.relu(h)
    h = _gcn_layer(h, src, dst, norm, W3, b3)
    return h

if __name__ == "__main__":
    import jax
    _d = setup_inputs()
    print(jax.jit(kernel)(*tuple(_d.values())))

</pallas_src>

<mosaic_0001>
#map = affine_map<(d0, d1) -> (0, 0, 0)>
#map1 = affine_map<(d0, d1) -> (0, 0, 0, 0)>
#map2 = affine_map<(d0, d1) -> (0, 0)>
module attributes {stable_mosaic.version = 14 : i64} {
  func.func @body(%arg0: i32, %arg1: i32, %arg2: memref<2x10240x128xf32, #tpu.memory_space<hbm>>, %arg3: memref<2x16x100x100xi32, #tpu.memory_space<hbm>>, %arg4: memref<10000x128xf32, #tpu.memory_space<hbm>>, %arg5: memref<2x10240x128xf32, #tpu.memory_space<hbm>>, %arg6: memref<100x100xi32, #tpu.memory_space<vmem>>, %arg7: memref<100x100xi32, #tpu.memory_space<vmem>>, %arg8: memref<2x100x128xf32, #tpu.memory_space<vmem>>, %arg9: memref<10000x128xf32, #tpu.memory_space<vmem_shared>>, %arg10: memref<!tpu.dma_semaphore, #tpu.memory_space<semaphore_mem>>, %arg11: memref<!tpu.dma_semaphore, #tpu.memory_space<semaphore_mem>>) attributes {dimension_semantics = [#tpu.dimension_semantics<core_parallel>, #tpu.dimension_semantics<subcore_parallel>], iteration_bounds = array<i64: 2, 16>, scalar_prefetch = 0 : i64, scratch_operands = 6 : i64, tpu.core_type = #tpu.core_type<sc_vector_subcore>, window_params = [{transform_indices = #map}, {transform_indices = #map1}, {transform_indices = #map2}, {transform_indices = #map}]} {
    %run_scoped3A = arith.constant 0 : i32
    "tpu.region"() ({
      %run_scoped3A_44 = tpu.sem_alloc : memref<!tpu.dma_semaphore, #tpu.memory_space<semaphore_mem>>
      %dma_start3A_45 = arith.constant 0 : i32
      %dma_start3A_46 = arith.constant 0 : i32
      %dma_start3A_47 = tpu.memref_slice %arg3[%run_scoped3A, %arg1, %dma_start3A_45, %dma_start3A_46] : memref<2x16x100x100xi32, #tpu.memory_space<hbm>> -> memref<1x1x100x100xi32, #tpu.memory_space<hbm>>
      %dma_start3A_48 = tpu.memref_squeeze %dma_start3A_47 : memref<1x1x100x100xi32, #tpu.memory_space<hbm>> -> memref<100x100xi32, #tpu.memory_space<hbm>>
      %dma_start3A_49 = arith.constant 0 : i32
      %dma_start3A_50 = arith.constant 0 : i32
      %dma_start3A_51 = tpu.memref_slice %arg3[%run_scoped3A, %arg1, %dma_start3A_49, %dma_start3A_50] : memref<2x16x100x100xi32, #tpu.memory_space<hbm>> -> memref<1x1x100x100xi32, #tpu.memory_space<hbm>>
      %dma_start3A_52 = tpu.memref_squeeze %dma_start3A_51 : memref<1x1x100x100xi32, #tpu.memory_space<hbm>> -> memref<100x100xi32, #tpu.memory_space<hbm>>
      tpu.enqueue_dma source(%dma_start3A_52 : memref<100x100xi32, #tpu.memory_space<hbm>>) target(%arg6 : memref<100x100xi32, #tpu.memory_space<vmem>>) target_semaphore(%run_scoped3A_44 : memref<!tpu.dma_semaphore, #tpu.memory_space<semaphore_mem>>)
      %dma_wait3A = arith.constant 0 : i32
      %dma_wait3A_53 = arith.constant 0 : i32
      %dma_wait3A_54 = tpu.memref_slice %arg3[%run_scoped3A, %arg1, %dma_wait3A, %dma_wait3A_53] : memref<2x16x100x100xi32, #tpu.memory_space<hbm>> -> memref<1x1x100x100xi32, #tpu.memory_space<hbm>>
      %dma_wait3A_55 = tpu.memref_squeeze %dma_wait3A_54 : memref<1x1x100x100xi32, #tpu.memory_space<hbm>> -> memref<100x100xi32, #tpu.memory_space<hbm>>
      %dma_wait3A_56 = arith.constant 0 : i32
      %dma_wait3A_57 = arith.constant 0 : i32
      %dma_wait3A_58 = tpu.memref_slice %arg3[%run_scoped3A, %arg1, %dma_wait3A_56, %dma_wait3A_57] : memref<2x16x100x100xi32, #tpu.memory_space<hbm>> -> memref<1x1x100x100xi32, #tpu.memory_space<hbm>>
      %dma_wait3A_59 = tpu.memref_squeeze %dma_wait3A_58 : memref<1x1x100x100xi32, #tpu.memory_space<hbm>> -> memref<100x100xi32, #tpu.memory_space<hbm>>
      tpu.wait_dma2 semaphore(%run_scoped3A_44 : memref<!tpu.dma_semaphore, #tpu.memory_space<semaphore_mem>>) src(%dma_wait3A_59 : memref<100x100xi32, #tpu.memory_space<hbm>>) dst(%arg6 : memref<100x100xi32, #tpu.memory_space<vmem>>)
      tpu.yield
    }) : () -> ()
    %run_scoped3A_0 = arith.constant 1 : i32
    "tpu.region"() ({
      %run_scoped3A_44 = tpu.sem_alloc : memref<!tpu.dma_semaphore, #tpu.memory_space<semaphore_mem>>
      %dma_start3A_45 = arith.constant 0 : i32
      %dma_start3A_46 = arith.constant 0 : i32
      %dma_start3A_47 = tpu.memref_slice %arg3[%run_scoped3A_0, %arg1, %dma_start3A_45, %dma_start3A_46] : memref<2x16x100x100xi32, #tpu.memory_space<hbm>> -> memref<1x1x100x100xi32, #tpu.memory_space<hbm>>
      %dma_start3A_48 = tpu.memref_squeeze %dma_start3A_47 : memref<1x1x100x100xi32, #tpu.memory_space<hbm>> -> memref<100x100xi32, #tpu.memory_space<hbm>>
      %dma_start3A_49 = arith.constant 0 : i32
      %dma_start3A_50 = arith.constant 0 : i32
      %dma_start3A_51 = tpu.memref_slice %arg3[%run_scoped3A_0, %arg1, %dma_start3A_49, %dma_start3A_50] : memref<2x16x100x100xi32, #tpu.memory_space<hbm>> -> memref<1x1x100x100xi32, #tpu.memory_space<hbm>>
      %dma_start3A_52 = tpu.memref_squeeze %dma_start3A_51 : memref<1x1x100x100xi32, #tpu.memory_space<hbm>> -> memref<100x100xi32, #tpu.memory_space<hbm>>
      tpu.enqueue_dma source(%dma_start3A_52 : memref<100x100xi32, #tpu.memory_space<hbm>>) target(%arg7 : memref<100x100xi32, #tpu.memory_space<vmem>>) target_semaphore(%run_scoped3A_44 : memref<!tpu.dma_semaphore, #tpu.memory_space<semaphore_mem>>)
      %dma_wait3A = arith.constant 0 : i32
      %dma_wait3A_53 = arith.constant 0 : i32
      %dma_wait3A_54 = tpu.memref_slice %arg3[%run_scoped3A_0, %arg1, %dma_wait3A, %dma_wait3A_53] : memref<2x16x100x100xi32, #tpu.memory_space<hbm>> -> memref<1x1x100x100xi32, #tpu.memory_space<hbm>>
      %dma_wait3A_55 = tpu.memref_squeeze %dma_wait3A_54 : memref<1x1x100x100xi32, #tpu.memory_space<hbm>> -> memref<100x100xi32, #tpu.memory_space<hbm>>
      %dma_wait3A_56 = arith.constant 0 : i32
      %dma_wait3A_57 = arith.constant 0 : i32
      %dma_wait3A_58 = tpu.memref_slice %arg3[%run_scoped3A_0, %arg1, %dma_wait3A_56, %dma_wait3A_57] : memref<2x16x100x100xi32, #tpu.memory_space<hbm>> -> memref<1x1x100x100xi32, #tpu.memory_space<hbm>>
      %dma_wait3A_59 = tpu.memref_squeeze %dma_wait3A_58 : memref<1x1x100x100xi32, #tpu.memory_space<hbm>> -> memref<100x100xi32, #tpu.memory_space<hbm>>
      tpu.wait_dma2 semaphore(%run_scoped3A_44 : memref<!tpu.dma_semaphore, #tpu.memory_space<semaphore_mem>>) src(%dma_wait3A_59 : memref<100x100xi32, #tpu.memory_space<hbm>>) dst(%arg7 : memref<100x100xi32, #tpu.memory_space<vmem>>)
      tpu.yield
    }) : () -> ()
    %mul3A = arith.constant 625 : i32
    %mul3A_1 = arith.muli %arg1, %mul3A : i32
    %mul3A_2 = arith.constant 625 : i32
    %mul3A_3 = arith.muli %arg1, %mul3A_2 : i32
    "tpu.region"() ({
      %run_scoped3A_44 = tpu.sem_alloc : memref<!tpu.dma_semaphore, #tpu.memory_space<semaphore_mem>>
      %dma_start3A_45 = arith.constant 0 : i32
      %dma_start3A_46 = tpu.memref_slice %arg9[%mul3A_3, %dma_start3A_45] : memref<10000x128xf32, #tpu.memory_space<vmem_shared>> -> memref<625x128xf32, #tpu.memory_space<vmem_shared>>
      %dma_start3A_47 = arith.constant 0 : i32
      %dma_start3A_48 = tpu.memref_slice %arg4[%mul3A_1, %dma_start3A_47] : memref<10000x128xf32, #tpu.memory_space<hbm>> -> memref<625x128xf32, #tpu.memory_space<hbm>>
      tpu.enqueue_dma source(%dma_start3A_48 : memref<625x128xf32, #tpu.memory_space<hbm>>) target(%dma_start3A_46 : memref<625x128xf32, #tpu.memory_space<vmem_shared>>) target_semaphore(%run_scoped3A_44 : memref<!tpu.dma_semaphore, #tpu.memory_space<semaphore_mem>>)
      %dma_wait3A = arith.constant 0 : i32
      %dma_wait3A_49 = tpu.memref_slice %arg9[%mul3A_3, %dma_wait3A] : memref<10000x128xf32, #tpu.memory_space<vmem_shared>> -> memref<625x128xf32, #tpu.memory_space<vmem_shared>>
      %dma_wait3A_50 = arith.constant 0 : i32
      %dma_wait3A_51 = tpu.memref_slice %arg4[%mul3A_1, %dma_wait3A_50] : memref<10000x128xf32, #tpu.memory_space<hbm>> -> memref<625x128xf32, #tpu.memory_space<hbm>>
      tpu.wait_dma2 semaphore(%run_scoped3A_44 : memref<!tpu.dma_semaphore, #tpu.memory_space<semaphore_mem>>) src(%dma_wait3A_51 : memref<625x128xf32, #tpu.memory_space<hbm>>) dst(%dma_wait3A_49 : memref<625x128xf32, #tpu.memory_space<vmem_shared>>)
      tpu.yield
    }) : () -> ()
    %barrier3A = arith.constant 0 : index
    tpu.barrier barrier_id(%barrier3A)
    %dma_start3A = arith.constant 0 : i32
    %dma_start3A_4 = arith.constant 0 : i32
    %dma_start3A_5 = arith.constant 0 : i32
    %dma_start3A_6 = arith.constant 0 : i32
    %dma_start3A_7 = tpu.memref_slice %arg8[%dma_start3A_4, %dma_start3A_5, %dma_start3A_6] : memref<2x100x128xf32, #tpu.memory_space<vmem>> -> memref<1x100x128xf32, #tpu.memory_space<vmem>>
    %dma_start3A_8 = tpu.memref_squeeze %dma_start3A_7 : memref<1x100x128xf32, #tpu.memory_space<vmem>> -> memref<100x128xf32, #tpu.memory_space<vmem>>
    %dma_start3A_9 = arith.constant 0 : i32
    %dma_start3A_10 = tpu.memref_slice %arg6[%dma_start3A, %dma_start3A_9] : memref<100x100xi32, #tpu.memory_space<vmem>> -> memref<1x100xi32, #tpu.memory_space<vmem>>
    %dma_start3A_11 = tpu.memref_squeeze %dma_start3A_10 : memref<1x100xi32, #tpu.memory_space<vmem>> -> memref<100xi32, #tpu.memory_space<vmem>>
    %dma_start3A_12 = arith.constant 0 : i32
    %dma_start3A_13 = arith.constant 0 : i32
    %dma_start3A_14 = tpu.memref_slice %arg2[%arg0, %dma_start3A_12, %dma_start3A_13] : memref<2x10240x128xf32, #tpu.memory_space<hbm>> -> memref<1x10240x128xf32, #tpu.memory_space<hbm>>
    %dma_start3A_15 = tpu.memref_squeeze %dma_start3A_14 : memref<1x10240x128xf32, #tpu.memory_space<hbm>> -> memref<10240x128xf32, #tpu.memory_space<hbm>>
    %dma_start3A_16 = arith.constant 0 : i32
    %dma_start3A_17 = arith.constant 0 : i32
    %dma_start3A_18 = tpu.memref_slice %dma_start3A_15[%dma_start3A_16, %dma_start3A_17] : memref<10240x128xf32, #tpu.memory_space<hbm>> -> memref<10240x128xf32, #tpu.memory_space<hbm>>
    tpu.enqueue_indirect_dma source(%dma_start3A_18 : memref<10240x128xf32, #tpu.memory_space<hbm>>) target(%dma_start3A_8 : memref<100x128xf32, #tpu.memory_space<vmem>>) offsets(%dma_start3A_11 : memref<100xi32, #tpu.memory_space<vmem>>) semaphore(%arg10 : memref<!tpu.dma_semaphore, #tpu.memory_space<semaphore_mem>>)
    %dma_start3A_19 = arith.constant 1 : i32
    %dma_start3A_20 = arith.constant 1 : i32
    %dma_start3A_21 = arith.constant 0 : i32
    %dma_start3A_22 = arith.constant 0 : i32
    %dma_start3A_23 = tpu.memref_slice %arg8[%dma_start3A_20, %dma_start3A_21, %dma_start3A_22] : memref<2x100x128xf32, #tpu.memory_space<vmem>> -> memref<1x100x128xf32, #tpu.memory_space<vmem>>
    %dma_start3A_24 = tpu.memref_squeeze %dma_start3A_23 : memref<1x100x128xf32, #tpu.memory_space<vmem>> -> memref<100x128xf32, #tpu.memory_space<vmem>>
    %dma_start3A_25 = arith.constant 0 : i32
    %dma_start3A_26 = tpu.memref_slice %arg6[%dma_start3A_19, %dma_start3A_25] : memref<100x100xi32, #tpu.memory_space<vmem>> -> memref<1x100xi32, #tpu.memory_space<vmem>>
    %dma_start3A_27 = tpu.memref_squeeze %dma_start3A_26 : memref<1x100xi32, #tpu.memory_space<vmem>> -> memref<100xi32, #tpu.memory_space<vmem>>
    %dma_start3A_28 = arith.constant 0 : i32
    %dma_start3A_29 = arith.constant 0 : i32
    %dma_start3A_30 = tpu.memref_slice %arg2[%arg0, %dma_start3A_28, %dma_start3A_29] : memref<2x10240x128xf32, #tpu.memory_space<hbm>> -> memref<1x10240x128xf32, #tpu.memory_space<hbm>>
    %dma_start3A_31 = tpu.memref_squeeze %dma_start3A_30 : memref<1x10240x128xf32, #tpu.memory_space<hbm>> -> memref<10240x128xf32, #tpu.memory_space<hbm>>
    %dma_start3A_32 = arith.constant 0 : i32
    %dma_start3A_33 = arith.constant 0 : i32
    %dma_start3A_34 = tpu.memref_slice %dma_start3A_31[%dma_start3A_32, %dma_start3A_33] : memref<10240x128xf32, #tpu.memory_space<hbm>> -> memref<10240x128xf32, #tpu.memory_space<hbm>>
    tpu.enqueue_indirect_dma source(%dma_start3A_34 : memref<10240x128xf32, #tpu.memory_space<hbm>>) target(%dma_start3A_24 : memref<100x128xf32, #tpu.memory_space<vmem>>) offsets(%dma_start3A_27 : memref<100xi32, #tpu.memory_space<vmem>>) semaphore(%arg11 : memref<!tpu.dma_semaphore, #tpu.memory_space<semaphore_mem>>)
    %scan3A = arith.constant 0 : i32
    %scan3A_35 = arith.constant 50 : i32
    %scan3A_36 = arith.addi %scan3A, %scan3A_35 : i32
    %scan3A_37 = arith.constant 1 : i32
    scf.for %scan3A_44 = %scan3A to %scan3A_36 step %scan3A_37  : i32 {
      %mul3A_45 = arith.constant 2 : i32
      %mul3A_46 = arith.muli %scan3A_44, %mul3A_45 : i32
      %add3A = arith.constant 0 : i32
      %add3A_47 = arith.addi %add3A, %mul3A_46 : i32
      %add3A_48 = arith.constant 0 : i32
      %add3A_49 = arith.addi %add3A_47, %add3A_48 : i32
      %dma_wait3A = arith.constant 0 : i32
      %dma_wait3A_50 = arith.constant 0 : i32
      %dma_wait3A_51 = arith.constant 0 : i32
      %dma_wait3A_52 = tpu.memref_slice %arg8[%dma_wait3A, %dma_wait3A_50, %dma_wait3A_51] : memref<2x100x128xf32, #tpu.memory_space<vmem>> -> memref<1x100x128xf32, #tpu.memory_space<vmem>>
      %dma_wait3A_53 = tpu.memref_squeeze %dma_wait3A_52 : memref<1x100x128xf32, #tpu.memory_space<vmem>> -> memref<100x128xf32, #tpu.memory_space<vmem>>
      %dma_wait3A_54 = arith.constant 0 : i32
      %dma_wait3A_55 = tpu.memref_slice %arg6[%add3A_49, %dma_wait3A_54] : memref<100x100xi32, #tpu.memory_space<vmem>> -> memref<1x100xi32, #tpu.memory_space<vmem>>
      %dma_wait3A_56 = tpu.memref_squeeze %dma_wait3A_55 : memref<1x100xi32, #tpu.memory_space<vmem>> -> memref<100xi32, #tpu.memory_space<vmem>>
      %dma_wait3A_57 = arith.constant 0 : i32
      %dma_wait3A_58 = arith.constant 0 : i32
      %dma_wait3A_59 = tpu.memref_slice %arg2[%arg0, %dma_wait3A_57, %dma_wait3A_58] : memref<2x10240x128xf32, #tpu.memory_space<hbm>> -> memref<1x10240x128xf32, #tpu.memory_space<hbm>>
      %dma_wait3A_60 = tpu.memref_squeeze %dma_wait3A_59 : memref<1x10240x128xf32, #tpu.memory_space<hbm>> -> memref<10240x128xf32, #tpu.memory_space<hbm>>
      %dma_wait3A_61 = arith.constant 0 : i32
      %dma_wait3A_62 = arith.constant 0 : i32
      %dma_wait3A_63 = tpu.memref_slice %dma_wait3A_60[%dma_wait3A_61, %dma_wait3A_62] : memref<10240x128xf32, #tpu.memory_space<hbm>> -> memref<10240x128xf32, #tpu.memory_space<hbm>>
      tpu.wait_indirect_dma semaphore(%arg10 : memref<!tpu.dma_semaphore, #tpu.memory_space<semaphore_mem>>) src(%dma_wait3A_63 : memref<10240x128xf32, #tpu.memory_space<hbm>>) dst(%dma_wait3A_53 : memref<100x128xf32, #tpu.memory_space<vmem>>)
      %run_scoped3A_64 = arith.constant 0 : i32
      "tpu.region"() ({
        %run_scoped3A_94 = tpu.sem_alloc : memref<!tpu.dma_semaphore, #tpu.memory_space<semaphore_mem>>
        %dma_start3A_95 = arith.constant 0 : i32
        %dma_start3A_96 = arith.constant 0 : i32
        %dma_start3A_97 = tpu.memref_slice %arg8[%run_scoped3A_64, %dma_start3A_95, %dma_start3A_96] : memref<2x100x128xf32, #tpu.memory_space<vmem>> -> memref<1x100x128xf32, #tpu.memory_space<vmem>>
        %dma_start3A_98 = tpu.memref_squeeze %dma_start3A_97 : memref<1x100x128xf32, #tpu.memory_space<vmem>> -> memref<100x128xf32, #tpu.memory_space<vmem>>
        %dma_start3A_99 = arith.constant 0 : i32
        %dma_start3A_100 = tpu.memref_slice %arg7[%add3A_49, %dma_start3A_99] : memref<100x100xi32, #tpu.memory_space<vmem>> -> memref<1x100xi32, #tpu.memory_space<vmem>>
        %dma_start3A_101 = tpu.memref_squeeze %dma_start3A_100 : memref<1x100xi32, #tpu.memory_space<vmem>> -> memref<100xi32, #tpu.memory_space<vmem>>
        %dma_start3A_102 = arith.constant 0 : i32
        %dma_start3A_103 = arith.constant 0 : i32
        %dma_start3A_104 = tpu.memref_slice %arg9[%dma_start3A_102, %dma_start3A_103] : memref<10000x128xf32, #tpu.memory_space<vmem_shared>> -> memref<10000x128xf32, #tpu.memory_space<vmem_shared>>
        tpu.enqueue_indirect_dma source(%dma_start3A_98 : memref<100x128xf32, #tpu.memory_space<vmem>>) target(%dma_start3A_104 : memref<10000x128xf32, #tpu.memory_space<vmem_shared>>) offsets(%dma_start3A_101 : memref<100xi32, #tpu.memory_space<vmem>>) semaphore(%run_scoped3A_94 : memref<!tpu.dma_semaphore, #tpu.memory_space<semaphore_mem>>) {add = true}
        %dma_wait3A_105 = arith.constant 0 : i32
        %dma_wait3A_106 = arith.constant 0 : i32
        %dma_wait3A_107 = tpu.memref_slice %arg8[%run_scoped3A_64, %dma_wait3A_105, %dma_wait3A_106] : memref<2x100x128xf32, #tpu.memory_space<vmem>> -> memref<1x100x128xf32, #tpu.memory_space<vmem>>
        %dma_wait3A_108 = tpu.memref_squeeze %dma_wait3A_107 : memref<1x100x128xf32, #tpu.memory_space<vmem>> -> memref<100x128xf32, #tpu.memory_space<vmem>>
        %dma_wait3A_109 = arith.constant 0 : i32
        %dma_wait3A_110 = tpu.memref_slice %arg7[%add3A_49, %dma_wait3A_109] : memref<100x100xi32, #tpu.memory_space<vmem>> -> memref<1x100xi32, #tpu.memory_space<vmem>>
        %dma_wait3A_111 = tpu.memref_squeeze %dma_wait3A_110 : memref<1x100xi32, #tpu.memory_space<vmem>> -> memref<100xi32, #tpu.memory_space<vmem>>
        %dma_wait3A_112 = arith.constant 0 : i32
        %dma_wait3A_113 = arith.constant 0 : i32
        %dma_wait3A_114 = tpu.memref_slice %arg9[%dma_wait3A_112, %dma_wait3A_113] : memref<10000x128xf32, #tpu.memory_space<vmem_shared>> -> memref<10000x128xf32, #tpu.memory_space<vmem_shared>>
        tpu.wait_indirect_dma semaphore(%run_scoped3A_94 : memref<!tpu.dma_semaphore, #tpu.memory_space<semaphore_mem>>) src(%dma_wait3A_108 : memref<100x128xf32, #tpu.memory_space<vmem>>) dst(%dma_wait3A_114 : memref<10000x128xf32, #tpu.memory_space<vmem_shared>>)
        tpu.yield
      }) : () -> ()
      %add3A_65 = arith.constant 2 : i32
      %add3A_66 = arith.addi %add3A_49, %add3A_65 : i32
      %lt3A = arith.constant 100 : i32
      %lt3A_67 = arith.cmpi slt, %add3A_66, %lt3A : i32
      %convert_element_type3A = arith.extui %lt3A_67 : i1 to i32
      %cond3A = arith.constant 0 : i32
      %cond3A_68 = arith.cmpi ne, %convert_element_type3A, %cond3A : i32
      scf.if %cond3A_68 {
        %add3A_94 = arith.constant 2 : i32
        %add3A_95 = arith.addi %add3A_49, %add3A_94 : i32
        %dma_start3A_96 = arith.constant 0 : i32
        %dma_start3A_97 = arith.constant 0 : i32
        %dma_start3A_98 = arith.constant 0 : i32
        %dma_start3A_99 = tpu.memref_slice %arg8[%dma_start3A_96, %dma_start3A_97, %dma_start3A_98] : memref<2x100x128xf32, #tpu.memory_space<vmem>> -> memref<1x100x128xf32, #tpu.memory_space<vmem>>
        %dma_start3A_100 = tpu.memref_squeeze %dma_start3A_99 : memref<1x100x128xf32, #tpu.memory_space<vmem>> -> memref<100x128xf32, #tpu.memory_space<vmem>>
        %dma_start3A_101 = arith.constant 0 : i32
        %dma_start3A_102 = tpu.memref_slice %arg6[%add3A_95, %dma_start3A_101] : memref<100x100xi32, #tpu.memory_space<vmem>> -> memref<1x100xi32, #tpu.memory_space<vmem>>
        %dma_start3A_103 = tpu.memref_squeeze %dma_start3A_102 : memref<1x100xi32, #tpu.memory_space<vmem>> -> memref<100xi32, #tpu.memory_space<vmem>>
        %dma_start3A_104 = arith.constant 0 : i32
        %dma_start3A_105 = arith.constant 0 : i32
        %dma_start3A_106 = tpu.memref_slice %arg2[%arg0, %dma_start3A_104, %dma_start3A_105] : memref<2x10240x128xf32, #tpu.memory_space<hbm>> -> memref<1x10240x128xf32, #tpu.memory_space<hbm>>
        %dma_start3A_107 = tpu.memref_squeeze %dma_start3A_106 : memref<1x10240x128xf32, #tpu.memory_space<hbm>> -> memref<10240x128xf32, #tpu.memory_space<hbm>>
        %dma_start3A_108 = arith.constant 0 : i32
        %dma_start3A_109 = arith.constant 0 : i32
        %dma_start3A_110 = tpu.memref_slice %dma_start3A_107[%dma_start3A_108, %dma_start3A_109] : memref<10240x128xf32, #tpu.memory_space<hbm>> -> memref<10240x128xf32, #tpu.memory_space<hbm>>
        tpu.enqueue_indirect_dma source(%dma_start3A_110 : memref<10240x128xf32, #tpu.memory_space<hbm>>) target(%dma_start3A_100 : memref<100x128xf32, #tpu.memory_space<vmem>>) offsets(%dma_start3A_103 : memref<100xi32, #tpu.memory_space<vmem>>) semaphore(%arg10 : memref<!tpu.dma_semaphore, #tpu.memory_space<semaphore_mem>>)
      } else {
      }
      %add3A_69 = arith.constant 1 : i32
      %add3A_70 = arith.addi %add3A_47, %add3A_69 : i32
      %dma_wait3A_71 = arith.constant 1 : i32
      %dma_wait3A_72 = arith.constant 0 : i32
      %dma_wait3A_73 = arith.constant 0 : i32
      %dma_wait3A_74 = tpu.memref_slice %arg8[%dma_wait3A_71, %dma_wait3A_72, %dma_wait3A_73] : memref<2x100x128xf32, #tpu.memory_space<vmem>> -> memref<1x100x128xf32, #tpu.memory_space<vmem>>
      %dma_wait3A_75 = tpu.memref_squeeze %dma_wait3A_74 : memref<1x100x128xf32, #tpu.memory_space<vmem>> -> memref<100x128xf32, #tpu.memory_space<vmem>>
      %dma_wait3A_76 = arith.constant 0 : i32
      %dma_wait3A_77 = tpu.memref_slice %arg6[%add3A_70, %dma_wait3A_76] : memref<100x100xi32, #tpu.memory_space<vmem>> -> memref<1x100xi32, #tpu.memory_space<vmem>>
      %dma_wait3A_78 = tpu.memref_squeeze %dma_wait3A_77 : memref<1x100xi32, #tpu.memory_space<vmem>> -> memref<100xi32, #tpu.memory_space<vmem>>
      %dma_wait3A_79 = arith.constant 0 : i32
      %dma_wait3A_80 = arith.constant 0 : i32
      %dma_wait3A_81 = tpu.memref_slice %arg2[%arg0, %dma_wait3A_79, %dma_wait3A_80] : memref<2x10240x128xf32, #tpu.memory_space<hbm>> -> memref<1x10240x128xf32, #tpu.memory_space<hbm>>
      %dma_wait3A_82 = tpu.memref_squeeze %dma_wait3A_81 : memref<1x10240x128xf32, #tpu.memory_space<hbm>> -> memref<10240x128xf32, #tpu.memory_space<hbm>>
      %dma_wait3A_83 = arith.constant 0 : i32
      %dma_wait3A_84 = arith.constant 0 : i32
      %dma_wait3A_85 = tpu.memref_slice %dma_wait3A_82[%dma_wait3A_83, %dma_wait3A_84] : memref<10240x128xf32, #tpu.memory_space<hbm>> -> memref<10240x128xf32, #tpu.memory_space<hbm>>
      tpu.wait_indirect_dma semaphore(%arg11 : memref<!tpu.dma_semaphore, #tpu.memory_space<semaphore_mem>>) src(%dma_wait3A_85 : memref<10240x128xf32, #tpu.memory_space<hbm>>) dst(%dma_wait3A_75 : memref<100x128xf32, #tpu.memory_space<vmem>>)
      %run_scoped3A_86 = arith.constant 1 : i32
      "tpu.region"() ({
        %run_scoped3A_94 = tpu.sem_alloc : memref<!tpu.dma_semaphore, #tpu.memory_space<semaphore_mem>>
        %dma_start3A_95 = arith.constant 0 : i32
        %dma_start3A_96 = arith.constant 0 : i32
        %dma_start3A_97 = tpu.memref_slice %arg8[%run_scoped3A_86, %dma_start3A_95, %dma_start3A_96] : memref<2x100x128xf32, #tpu.memory_space<vmem>> -> memref<1x100x128xf32, #tpu.memory_space<vmem>>
        %dma_start3A_98 = tpu.memref_squeeze %dma_start3A_97 : memref<1x100x128xf32, #tpu.memory_space<vmem>> -> memref<100x128xf32, #tpu.memory_space<vmem>>
        %dma_start3A_99 = arith.constant 0 : i32
        %dma_start3A_100 = tpu.memref_slice %arg7[%add3A_70, %dma_start3A_99] : memref<100x100xi32, #tpu.memory_space<vmem>> -> memref<1x100xi32, #tpu.memory_space<vmem>>
        %dma_start3A_101 = tpu.memref_squeeze %dma_start3A_100 : memref<1x100xi32, #tpu.memory_space<vmem>> -> memref<100xi32, #tpu.memory_space<vmem>>
        %dma_start3A_102 = arith.constant 0 : i32
        %dma_start3A_103 = arith.constant 0 : i32
        %dma_start3A_104 = tpu.memref_slice %arg9[%dma_start3A_102, %dma_start3A_103] : memref<10000x128xf32, #tpu.memory_space<vmem_shared>> -> memref<10000x128xf32, #tpu.memory_space<vmem_shared>>
        tpu.enqueue_indirect_dma source(%dma_start3A_98 : memref<100x128xf32, #tpu.memory_space<vmem>>) target(%dma_start3A_104 : memref<10000x128xf32, #tpu.memory_space<vmem_shared>>) offsets(%dma_start3A_101 : memref<100xi32, #tpu.memory_space<vmem>>) semaphore(%run_scoped3A_94 : memref<!tpu.dma_semaphore, #tpu.memory_space<semaphore_mem>>) {add = true}
        %dma_wait3A_105 = arith.constant 0 : i32
        %dma_wait3A_106 = arith.constant 0 : i32
        %dma_wait3A_107 = tpu.memref_slice %arg8[%run_scoped3A_86, %dma_wait3A_105, %dma_wait3A_106] : memref<2x100x128xf32, #tpu.memory_space<vmem>> -> memref<1x100x128xf32, #tpu.memory_space<vmem>>
        %dma_wait3A_108 = tpu.memref_squeeze %dma_wait3A_107 : memref<1x100x128xf32, #tpu.memory_space<vmem>> -> memref<100x128xf32, #tpu.memory_space<vmem>>
        %dma_wait3A_109 = arith.constant 0 : i32
        %dma_wait3A_110 = tpu.memref_slice %arg7[%add3A_70, %dma_wait3A_109] : memref<100x100xi32, #tpu.memory_space<vmem>> -> memref<1x100xi32, #tpu.memory_space<vmem>>
        %dma_wait3A_111 = tpu.memref_squeeze %dma_wait3A_110 : memref<1x100xi32, #tpu.memory_space<vmem>> -> memref<100xi32, #tpu.memory_space<vmem>>
        %dma_wait3A_112 = arith.constant 0 : i32
        %dma_wait3A_113 = arith.constant 0 : i32
        %dma_wait3A_114 = tpu.memref_slice %arg9[%dma_wait3A_112, %dma_wait3A_113] : memref<10000x128xf32, #tpu.memory_space<vmem_shared>> -> memref<10000x128xf32, #tpu.memory_space<vmem_shared>>
        tpu.wait_indirect_dma semaphore(%run_scoped3A_94 : memref<!tpu.dma_semaphore, #tpu.memory_space<semaphore_mem>>) src(%dma_wait3A_108 : memref<100x128xf32, #tpu.memory_space<vmem>>) dst(%dma_wait3A_114 : memref<10000x128xf32, #tpu.memory_space<vmem_shared>>)
        tpu.yield
      }) : () -> ()
      %add3A_87 = arith.constant 2 : i32
      %add3A_88 = arith.addi %add3A_70, %add3A_87 : i32
      %lt3A_89 = arith.constant 100 : i32
      %lt3A_90 = arith.cmpi slt, %add3A_88, %lt3A_89 : i32
      %convert_element_type3A_91 = arith.extui %lt3A_90 : i1 to i32
      %cond3A_92 = arith.constant 0 : i32
      %cond3A_93 = arith.cmpi ne, %convert_element_type3A_91, %cond3A_92 : i32
      scf.if %cond3A_93 {
        %add3A_94 = arith.constant 2 : i32
        %add3A_95 = arith.addi %add3A_70, %add3A_94 : i32
        %dma_start3A_96 = arith.constant 1 : i32
        %dma_start3A_97 = arith.constant 0 : i32
        %dma_start3A_98 = arith.constant 0 : i32
        %dma_start3A_99 = tpu.memref_slice %arg8[%dma_start3A_96, %dma_start3A_97, %dma_start3A_98] : memref<2x100x128xf32, #tpu.memory_space<vmem>> -> memref<1x100x128xf32, #tpu.memory_space<vmem>>
        %dma_start3A_100 = tpu.memref_squeeze %dma_start3A_99 : memref<1x100x128xf32, #tpu.memory_space<vmem>> -> memref<100x128xf32, #tpu.memory_space<vmem>>
        %dma_start3A_101 = arith.constant 0 : i32
        %dma_start3A_102 = tpu.memref_slice %arg6[%add3A_95, %dma_start3A_101] : memref<100x100xi32, #tpu.memory_space<vmem>> -> memref<1x100xi32, #tpu.memory_space<vmem>>
        %dma_start3A_103 = tpu.memref_squeeze %dma_start3A_102 : memref<1x100xi32, #tpu.memory_space<vmem>> -> memref<100xi32, #tpu.memory_space<vmem>>
        %dma_start3A_104 = arith.constant 0 : i32
        %dma_start3A_105 = arith.constant 0 : i32
        %dma_start3A_106 = tpu.memref_slice %arg2[%arg0, %dma_start3A_104, %dma_start3A_105] : memref<2x10240x128xf32, #tpu.memory_space<hbm>> -> memref<1x10240x128xf32, #tpu.memory_space<hbm>>
        %dma_start3A_107 = tpu.memref_squeeze %dma_start3A_106 : memref<1x10240x128xf32, #tpu.memory_space<hbm>> -> memref<10240x128xf32, #tpu.memory_space<hbm>>
        %dma_start3A_108 = arith.constant 0 : i32
        %dma_start3A_109 = arith.constant 0 : i32
        %dma_start3A_110 = tpu.memref_slice %dma_start3A_107[%dma_start3A_108, %dma_start3A_109] : memref<10240x128xf32, #tpu.memory_space<hbm>> -> memref<10240x128xf32, #tpu.memory_space<hbm>>
        tpu.enqueue_indirect_dma source(%dma_start3A_110 : memref<10240x128xf32, #tpu.memory_space<hbm>>) target(%dma_start3A_100 : memref<100x128xf32, #tpu.memory_space<vmem>>) offsets(%dma_start3A_103 : memref<100xi32, #tpu.memory_space<vmem>>) semaphore(%arg11 : memref<!tpu.dma_semaphore, #tpu.memory_space<semaphore_mem>>)
      } else {
      }
    }
    %scan3A_38 = arith.constant 50 : i32
    %barrier3A_39 = arith.constant 0 : index
    tpu.barrier barrier_id(%barrier3A_39)
    %mul3A_40 = arith.constant 625 : i32
    %mul3A_41 = arith.muli %arg1, %mul3A_40 : i32
    %mul3A_42 = arith.constant 625 : i32
    %mul3A_43 = arith.muli %arg1, %mul3A_42 : i32
    "tpu.region"() ({
      %run_scoped3A_44 = tpu.sem_alloc : memref<!tpu.dma_semaphore, #tpu.memory_space<semaphore_mem>>
      %dma_start3A_45 = arith.constant 0 : i32
      %dma_start3A_46 = tpu.memref_slice %arg5[%arg0, %mul3A_43, %dma_start3A_45] : memref<2x10240x128xf32, #tpu.memory_space<hbm>> -> memref<1x625x128xf32, #tpu.memory_space<hbm>>
      %dma_start3A_47 = tpu.memref_squeeze %dma_start3A_46 : memref<1x625x128xf32, #tpu.memory_space<hbm>> -> memref<625x128xf32, #tpu.memory_space<hbm>>
      %dma_start3A_48 = arith.constant 0 : i32
      %dma_start3A_49 = tpu.memref_slice %arg9[%mul3A_41, %dma_start3A_48] : memref<10000x128xf32, #tpu.memory_space<vmem_shared>> -> memref<625x128xf32, #tpu.memory_space<vmem_shared>>
      tpu.enqueue_dma source(%dma_start3A_49 : memref<625x128xf32, #tpu.memory_space<vmem_shared>>) target(%dma_start3A_47 : memref<625x128xf32, #tpu.memory_space<hbm>>) target_semaphore(%run_scoped3A_44 : memref<!tpu.dma_semaphore, #tpu.memory_space<semaphore_mem>>)
      %dma_wait3A = arith.constant 0 : i32
      %dma_wait3A_50 = tpu.memref_slice %arg5[%arg0, %mul3A_43, %dma_wait3A] : memref<2x10240x128xf32, #tpu.memory_space<hbm>> -> memref<1x625x128xf32, #tpu.memory_space<hbm>>
      %dma_wait3A_51 = tpu.memref_squeeze %dma_wait3A_50 : memref<1x625x128xf32, #tpu.memory_space<hbm>> -> memref<625x128xf32, #tpu.memory_space<hbm>>
      %dma_wait3A_52 = arith.constant 0 : i32
      %dma_wait3A_53 = tpu.memref_slice %arg9[%mul3A_41, %dma_wait3A_52] : memref<10000x128xf32, #tpu.memory_space<vmem_shared>> -> memref<625x128xf32, #tpu.memory_space<vmem_shared>>
      tpu.wait_dma2 semaphore(%run_scoped3A_44 : memref<!tpu.dma_semaphore, #tpu.memory_space<semaphore_mem>>) src(%dma_wait3A_53 : memref<625x128xf32, #tpu.memory_space<vmem_shared>>) dst(%dma_wait3A_51 : memref<625x128xf32, #tpu.memory_space<hbm>>)
      tpu.yield
    }) : () -> ()
    return
  }
}

#map = affine_map<(d0, d1) -> (0, 0, 0)>
module attributes {stable_mosaic.version = 14 : i64} {
  func.func @_deg_body(%arg0: i32, %arg1: i32, %arg2: memref<2x16x10000xi32, #tpu.memory_space<hbm>>, %arg3: memref<2x16x10240xf32, #tpu.memory_space<hbm>>, %arg4: memref<10000xi32, #tpu.memory_space<vmem>>, %arg5: memref<10240xf32, #tpu.memory_space<vmem>>) attributes {dimension_semantics = [#tpu.dimension_semantics<core_parallel>, #tpu.dimension_semantics<subcore_parallel>], iteration_bounds = array<i64: 2, 16>, scalar_prefetch = 0 : i64, scratch_operands = 2 : i64, tpu.core_type = #tpu.core_type<sc_vector_subcore>, window_params = [{transform_indices = #map}, {transform_indices = #map}]} {
    "tpu.region"() ({
      %run_scoped3A = tpu.sem_alloc : memref<!tpu.dma_semaphore, #tpu.memory_space<semaphore_mem>>
      %dma_start3A = arith.constant 0 : i32
      %dma_start3A_12 = tpu.memref_slice %arg2[%arg0, %arg1, %dma_start3A] : memref<2x16x10000xi32, #tpu.memory_space<hbm>> -> memref<1x1x10000xi32, #tpu.memory_space<hbm>>
      %dma_start3A_13 = tpu.memref_squeeze %dma_start3A_12 : memref<1x1x10000xi32, #tpu.memory_space<hbm>> -> memref<10000xi32, #tpu.memory_space<hbm>>
      %dma_start3A_14 = arith.constant 0 : i32
      %dma_start3A_15 = tpu.memref_slice %arg2[%arg0, %arg1, %dma_start3A_14] : memref<2x16x10000xi32, #tpu.memory_space<hbm>> -> memref<1x1x10000xi32, #tpu.memory_space<hbm>>
      %dma_start3A_16 = tpu.memref_squeeze %dma_start3A_15 : memref<1x1x10000xi32, #tpu.memory_space<hbm>> -> memref<10000xi32, #tpu.memory_space<hbm>>
      tpu.enqueue_dma source(%dma_start3A_16 : memref<10000xi32, #tpu.memory_space<hbm>>) target(%arg4 : memref<10000xi32, #tpu.memory_space<vmem>>) target_semaphore(%run_scoped3A : memref<!tpu.dma_semaphore, #tpu.memory_space<semaphore_mem>>)
      %dma_wait3A = arith.constant 0 : i32
      %dma_wait3A_17 = tpu.memref_slice %arg2[%arg0, %arg1, %dma_wait3A] : memref<2x16x10000xi32, #tpu.memory_space<hbm>> -> memref<1x1x10000xi32, #tpu.memory_space<hbm>>
      %dma_wait3A_18 = tpu.memref_squeeze %dma_wait3A_17 : memref<1x1x10000xi32, #tpu.memory_space<hbm>> -> memref<10000xi32, #tpu.memory_space<hbm>>
      %dma_wait3A_19 = arith.constant 0 : i32
      %dma_wait3A_20 = tpu.memref_slice %arg2[%arg0, %arg1, %dma_wait3A_19] : memref<2x16x10000xi32, #tpu.memory_space<hbm>> -> memref<1x1x10000xi32, #tpu.memory_space<hbm>>
      %dma_wait3A_21 = tpu.memref_squeeze %dma_wait3A_20 : memref<1x1x10000xi32, #tpu.memory_space<hbm>> -> memref<10000xi32, #tpu.memory_space<hbm>>
      tpu.wait_dma2 semaphore(%run_scoped3A : memref<!tpu.dma_semaphore, #tpu.memory_space<semaphore_mem>>) src(%dma_wait3A_21 : memref<10000xi32, #tpu.memory_space<hbm>>) dst(%arg4 : memref<10000xi32, #tpu.memory_space<vmem>>)
      tpu.yield
    }) : () -> ()
    %broadcast_in_dim3A = arith.constant 0.000000e+00 : f32
    %broadcast_in_dim3A_0 = vector.broadcast %broadcast_in_dim3A : f32 to vector<16xf32>
    %scan3A = arith.constant 0 : i32
    %scan3A_1 = arith.constant 640 : i32
    %scan3A_2 = arith.addi %scan3A, %scan3A_1 : i32
    %scan3A_3 = arith.constant 1 : i32
    scf.for %scan3A_12 = %scan3A to %scan3A_2 step %scan3A_3  : i32 {
      %mul3A = arith.constant 1 : i32
      %mul3A_13 = arith.muli %scan3A_12, %mul3A : i32
      %add3A = arith.constant 0 : i32
      %add3A_14 = arith.addi %add3A, %mul3A_13 : i32
      %mul3A_15 = arith.constant 16 : i32
      %mul3A_16 = arith.muli %add3A_14, %mul3A_15 : i32
      %swap3A = arith.index_cast %mul3A_16 : i32 to index
      %swap3A_17 = tpu.vector_load %arg5[%swap3A] {strides = array<i32>} : memref<10240xf32, #tpu.memory_space<vmem>>, vector<16xf32>,
      tpu.vector_store %arg5[%swap3A], %broadcast_in_dim3A_0 {strides = array<i32>} : memref<10240xf32, #tpu.memory_space<vmem>>, vector<16xf32>,
    }
    %scan3A_4 = arith.constant 640 : i32
    %broadcast_in_dim3A_5 = arith.constant 1.000000e+00 : f32
    %broadcast_in_dim3A_6 = vector.broadcast %broadcast_in_dim3A_5 : f32 to vector<16xf32>
    %scan3A_7 = arith.constant 0 : i32
    %scan3A_8 = arith.constant 625 : i32
    %scan3A_9 = arith.addi %scan3A_7, %scan3A_8 : i32
    %scan3A_10 = arith.constant 1 : i32
    scf.for %scan3A_12 = %scan3A_7 to %scan3A_9 step %scan3A_10  : i32 {
      %mul3A = arith.constant 1 : i32
      %mul3A_13 = arith.muli %scan3A_12, %mul3A : i32
      %add3A = arith.constant 0 : i32
      %add3A_14 = arith.addi %add3A, %mul3A_13 : i32
      %mul3A_15 = arith.constant 16 : i32
      %mul3A_16 = arith.muli %add3A_14, %mul3A_15 : i32
      %get3A = arith.index_cast %mul3A_16 : i32 to index
      %get3A_17 = tpu.vector_load %arg4[%get3A] {strides = array<i32>} : memref<10000xi32, #tpu.memory_space<vmem>>, vector<16xi32>,
      tpu.vector_store_idx %arg5[%get3A_17], %broadcast_in_dim3A_6 {add = true} : memref<10240xf32, #tpu.memory_space<vmem>>[vector<16xi32>], vector<16xf32>,
    }
    %scan3A_11 = arith.constant 625 : i32
    "tpu.region"() ({
      %run_scoped3A = tpu.sem_alloc : memref<!tpu.dma_semaphore, #tpu.memory_space<semaphore_mem>>
      %dma_start3A = arith.constant 0 : i32
      %dma_start3A_12 = tpu.memref_slice %arg3[%arg0, %arg1, %dma_start3A] : memref<2x16x10240xf32, #tpu.memory_space<hbm>> -> memref<1x1x10240xf32, #tpu.memory_space<hbm>>
      %dma_start3A_13 = tpu.memref_squeeze %dma_start3A_12 : memref<1x1x10240xf32, #tpu.memory_space<hbm>> -> memref<10240xf32, #tpu.memory_space<hbm>>
      %dma_start3A_14 = arith.constant 0 : i32
      %dma_start3A_15 = tpu.memref_slice %arg3[%arg0, %arg1, %dma_start3A_14] : memref<2x16x10240xf32, #tpu.memory_space<hbm>> -> memref<1x1x10240xf32, #tpu.memory_space<hbm>>
      %dma_start3A_16 = tpu.memref_squeeze %dma_start3A_15 : memref<1x1x10240xf32, #tpu.memory_space<hbm>> -> memref<10240xf32, #tpu.memory_space<hbm>>
      tpu.enqueue_dma source(%arg5 : memref<10240xf32, #tpu.memory_space<vmem>>) target(%dma_start3A_16 : memref<10240xf32, #tpu.memory_space<hbm>>) target_semaphore(%run_scoped3A : memref<!tpu.dma_semaphore, #tpu.memory_space<semaphore_mem>>)
      %dma_wait3A = arith.constant 0 : i32
      %dma_wait3A_17 = tpu.memref_slice %arg3[%arg0, %arg1, %dma_wait3A] : memref<2x16x10240xf32, #tpu.memory_space<hbm>> -> memref<1x1x10240xf32, #tpu.memory_space<hbm>>
      %dma_wait3A_18 = tpu.memref_squeeze %dma_wait3A_17 : memref<1x1x10240xf32, #tpu.memory_space<hbm>> -> memref<10240xf32, #tpu.memory_space<hbm>>
      %dma_wait3A_19 = arith.constant 0 : i32
      %dma_wait3A_20 = tpu.memref_slice %arg3[%arg0, %arg1, %dma_wait3A_19] : memref<2x16x10240xf32, #tpu.memory_space<hbm>> -> memref<1x1x10240xf32, #tpu.memory_space<hbm>>
      %dma_wait3A_21 = tpu.memref_squeeze %dma_wait3A_20 : memref<1x1x10240xf32, #tpu.memory_space<hbm>> -> memref<10240xf32, #tpu.memory_space<hbm>>
      tpu.wait_dma2 semaphore(%run_scoped3A : memref<!tpu.dma_semaphore, #tpu.memory_space<semaphore_mem>>) src(%arg5 : memref<10240xf32, #tpu.memory_space<vmem>>) dst(%dma_wait3A_21 : memref<10240xf32, #tpu.memory_space<hbm>>)
      tpu.yield
    }) : () -> ()
    return
  }
}

#map = affine_map<(d0, d1) -> (0, 0, 0)>
#map1 = affine_map<(d0, d1) -> (0, 0, 0, 0)>
#map2 = affine_map<(d0, d1) -> (0, 0)>
module attributes {stable_mosaic.version = 14 : i64} {
  func.func @body(%arg0: i32, %arg1: i32, %arg2: memref<2x10240x128xf32, #tpu.memory_space<hbm>>, %arg3: memref<2x16x100x100xi32, #tpu.memory_space<hbm>>, %arg4: memref<10000x128xf32, #tpu.memory_space<hbm>>, %arg5: memref<2x10240x128xf32, #tpu.memory_space<hbm>>, %arg6: memref<100x100xi32, #tpu.memory_space<vmem>>, %arg7: memref<100x100xi32, #tpu.memory_space<vmem>>, %arg8: memref<2x100x128xf32, #tpu.memory_space<vmem>>, %arg9: memref<10000x128xf32, #tpu.memory_space<vmem_shared>>, %arg10: memref<!tpu.dma_semaphore, #tpu.memory_space<semaphore_mem>>, %arg11: memref<!tpu.dma_semaphore, #tpu.memory_space<semaphore_mem>>) attributes {dimension_semantics = [#tpu.dimension_semantics<core_parallel>, #tpu.dimension_semantics<subcore_parallel>], iteration_bounds = array<i64: 2, 16>, scalar_prefetch = 0 : i64, scratch_operands = 6 : i64, tpu.core_type = #tpu.core_type<sc_vector_subcore>, window_params = [{transform_indices = #map}, {transform_indices = #map1}, {transform_indices = #map2}, {transform_indices = #map}]} {
    %run_scoped3A = arith.constant 0 : i32
    "tpu.region"() ({
      %run_scoped3A_44 = tpu.sem_alloc : memref<!tpu.dma_semaphore, #tpu.memory_space<semaphore_mem>>
      %dma_start3A_45 = arith.constant 0 : i32
      %dma_start3A_46 = arith.constant 0 : i32
      %dma_start3A_47 = tpu.memref_slice %arg3[%run_scoped3A, %arg1, %dma_start3A_45, %dma_start3A_46] : memref<2x16x100x100xi32, #tpu.memory_space<hbm>> -> memref<1x1x100x100xi32, #tpu.memory_space<hbm>>
      %dma_start3A_48 = tpu.memref_squeeze %dma_start3A_47 : memref<1x1x100x100xi32, #tpu.memory_space<hbm>> -> memref<100x100xi32, #tpu.memory_space<hbm>>
      %dma_start3A_49 = arith.constant 0 : i32
      %dma_start3A_50 = arith.constant 0 : i32
      %dma_start3A_51 = tpu.memref_slice %arg3[%run_scoped3A, %arg1, %dma_start3A_49, %dma_start3A_50] : memref<2x16x100x100xi32, #tpu.memory_space<hbm>> -> memref<1x1x100x100xi32, #tpu.memory_space<hbm>>
      %dma_start3A_52 = tpu.memref_squeeze %dma_start3A_51 : memref<1x1x100x100xi32, #tpu.memory_space<hbm>> -> memref<100x100xi32, #tpu.memory_space<hbm>>
      tpu.enqueue_dma source(%dma_start3A_52 : memref<100x100xi32, #tpu.memory_space<hbm>>) target(%arg6 : memref<100x100xi32, #tpu.memory_space<vmem>>) target_semaphore(%run_scoped3A_44 : memref<!tpu.dma_semaphore, #tpu.memory_space<semaphore_mem>>)
      %dma_wait3A = arith.constant 0 : i32
      %dma_wait3A_53 = arith.constant 0 : i32
      %dma_wait3A_54 = tpu.memref_slice %arg3[%run_scoped3A, %arg1, %dma_wait3A, %dma_wait3A_53] : memref<2x16x100x100xi32, #tpu.memory_space<hbm>> -> memref<1x1x100x100xi32, #tpu.memory_space<hbm>>
      %dma_wait3A_55 = tpu.memref_squeeze %dma_wait3A_54 : memref<1x1x100x100xi32, #tpu.memory_space<hbm>> -> memref<100x100xi32, #tpu.memory_space<hbm>>
      %dma_wait3A_56 = arith.constant 0 : i32
      %dma_wait3A_57 = arith.constant 0 : i32
      %dma_wait3A_58 = tpu.memref_slice %arg3[%run_scoped3A, %arg1, %dma_wait3A_56, %dma_wait3A_57] : memref<2x16x100x100xi32, #tpu.memory_space<hbm>> -> memref<1x1x100x100xi32, #tpu.memory_space<hbm>>
      %dma_wait3A_59 = tpu.memref_squeeze %dma_wait3A_58 : memref<1x1x100x100xi32, #tpu.memory_space<hbm>> -> memref<100x100xi32, #tpu.memory_space<hbm>>
      tpu.wait_dma2 semaphore(%run_scoped3A_44 : memref<!tpu.dma_semaphore, #tpu.memory_space<semaphore_mem>>) src(%dma_wait3A_59 : memref<100x100xi32, #tpu.memory_space<hbm>>) dst(%arg6 : memref<100x100xi32, #tpu.memory_space<vmem>>)
      tpu.yield
    }) : () -> ()
    %run_scoped3A_0 = arith.constant 1 : i32
    "tpu.region"() ({
      %run_scoped3A_44 = tpu.sem_alloc : memref<!tpu.dma_semaphore, #tpu.memory_space<semaphore_mem>>
      %dma_start3A_45 = arith.constant 0 : i32
      %dma_start3A_46 = arith.constant 0 : i32
      %dma_start3A_47 = tpu.memref_slice %arg3[%run_scoped3A_0, %arg1, %dma_start3A_45, %dma_start3A_46] : memref<2x16x100x100xi32, #tpu.memory_space<hbm>> -> memref<1x1x100x100xi32, #tpu.memory_space<hbm>>
      %dma_start3A_48 = tpu.memref_squeeze %dma_start3A_47 : memref<1x1x100x100xi32, #tpu.memory_space<hbm>> -> memref<100x100xi32, #tpu.memory_space<hbm>>
      %dma_start3A_49 = arith.constant 0 : i32
      %dma_start3A_50 = arith.constant 0 : i32
      %dma_start3A_51 = tpu.memref_slice %arg3[%run_scoped3A_0, %arg1, %dma_start3A_49, %dma_start3A_50] : memref<2x16x100x100xi32, #tpu.memory_space<hbm>> -> memref<1x1x100x100xi32, #tpu.memory_space<hbm>>
      %dma_start3A_52 = tpu.memref_squeeze %dma_start3A_51 : memref<1x1x100x100xi32, #tpu.memory_space<hbm>> -> memref<100x100xi32, #tpu.memory_space<hbm>>
      tpu.enqueue_dma source(%dma_start3A_52 : memref<100x100xi32, #tpu.memory_space<hbm>>) target(%arg7 : memref<100x100xi32, #tpu.memory_space<vmem>>) target_semaphore(%run_scoped3A_44 : memref<!tpu.dma_semaphore, #tpu.memory_space<semaphore_mem>>)
      %dma_wait3A = arith.constant 0 : i32
      %dma_wait3A_53 = arith.constant 0 : i32
      %dma_wait3A_54 = tpu.memref_slice %arg3[%run_scoped3A_0, %arg1, %dma_wait3A, %dma_wait3A_53] : memref<2x16x100x100xi32, #tpu.memory_space<hbm>> -> memref<1x1x100x100xi32, #tpu.memory_space<hbm>>
      %dma_wait3A_55 = tpu.memref_squeeze %dma_wait3A_54 : memref<1x1x100x100xi32, #tpu.memory_space<hbm>> -> memref<100x100xi32, #tpu.memory_space<hbm>>
      %dma_wait3A_56 = arith.constant 0 : i32
      %dma_wait3A_57 = arith.constant 0 : i32
      %dma_wait3A_58 = tpu.memref_slice %arg3[%run_scoped3A_0, %arg1, %dma_wait3A_56, %dma_wait3A_57] : memref<2x16x100x100xi32, #tpu.memory_space<hbm>> -> memref<1x1x100x100xi32, #tpu.memory_space<hbm>>
      %dma_wait3A_59 = tpu.memref_squeeze %dma_wait3A_58 : memref<1x1x100x100xi32, #tpu.memory_space<hbm>> -> memref<100x100xi32, #tpu.memory_space<hbm>>
      tpu.wait_dma2 semaphore(%run_scoped3A_44 : memref<!tpu.dma_semaphore, #tpu.memory_space<semaphore_mem>>) src(%dma_wait3A_59 : memref<100x100xi32, #tpu.memory_space<hbm>>) dst(%arg7 : memref<100x100xi32, #tpu.memory_space<vmem>>)
      tpu.yield
    }) : () -> ()
    %mul3A = arith.constant 625 : i32
    %mul3A_1 = arith.muli %arg1, %mul3A : i32
    %mul3A_2 = arith.constant 625 : i32
    %mul3A_3 = arith.muli %arg1, %mul3A_2 : i32
    "tpu.region"() ({
      %run_scoped3A_44 = tpu.sem_alloc : memref<!tpu.dma_semaphore, #tpu.memory_space<semaphore_mem>>
      %dma_start3A_45 = arith.constant 0 : i32
      %dma_start3A_46 = tpu.memref_slice %arg9[%mul3A_3, %dma_start3A_45] : memref<10000x128xf32, #tpu.memory_space<vmem_shared>> -> memref<625x128xf32, #tpu.memory_space<vmem_shared>>
      %dma_start3A_47 = arith.constant 0 : i32
      %dma_start3A_48 = tpu.memref_slice %arg4[%mul3A_1, %dma_start3A_47] : memref<10000x128xf32, #tpu.memory_space<hbm>> -> memref<625x128xf32, #tpu.memory_space<hbm>>
      tpu.enqueue_dma source(%dma_start3A_48 : memref<625x128xf32, #tpu.memory_space<hbm>>) target(%dma_start3A_46 : memref<625x128xf32, #tpu.memory_space<vmem_shared>>) target_semaphore(%run_scoped3A_44 : memref<!tpu.dma_semaphore, #tpu.memory_space<semaphore_mem>>)
      %dma_wait3A = arith.constant 0 : i32
      %dma_wait3A_49 = tpu.memref_slice %arg9[%mul3A_3, %dma_wait3A] : memref<10000x128xf32, #tpu.memory_space<vmem_shared>> -> memref<625x128xf32, #tpu.memory_space<vmem_shared>>
      %dma_wait3A_50 = arith.constant 0 : i32
      %dma_wait3A_51 = tpu.memref_slice %arg4[%mul3A_1, %dma_wait3A_50] : memref<10000x128xf32, #tpu.memory_space<hbm>> -> memref<625x128xf32, #tpu.memory_space<hbm>>
      tpu.wait_dma2 semaphore(%run_scoped3A_44 : memref<!tpu.dma_semaphore, #tpu.memory_space<semaphore_mem>>) src(%dma_wait3A_51 : memref<625x128xf32, #tpu.memory_space<hbm>>) dst(%dma_wait3A_49 : memref<625x128xf32, #tpu.memory_space<vmem_shared>>)
      tpu.yield
    }) : () -> ()
    %barrier3A = arith.constant 0 : index
    tpu.barrier barrier_id(%barrier3A)
    %dma_start3A = arith.constant 0 : i32
    %dma_start3A_4 = arith.constant 0 : i32
    %dma_start3A_5 = arith.constant 0 : i32
    %dma_start3A_6 = arith.constant 0 : i32
    %dma_start3A_7 = tpu.memref_slice %arg8[%dma_start3A_4, %dma_start3A_5, %dma_start3A_6] : memref<2x100x128xf32, #tpu.memory_space<vmem>> -> memref<1x100x128xf32, #tpu.memory_space<vmem>>
    %dma_start3A_8 = tpu.memref_squeeze %dma_start3A_7 : memref<1x100x128xf32, #tpu.memory_space<vmem>> -> memref<100x128xf32, #tpu.memory_space<vmem>>
    %dma_start3A_9 = arith.constant 0 : i32
    %dma_start3A_10 = tpu.memref_slice %arg6[%dma_start3A, %dma_start3A_9] : memref<100x100xi32, #tpu.memory_space<vmem>> -> memref<1x100xi32, #tpu.memory_space<vmem>>
    %dma_start3A_11 = tpu.memref_squeeze %dma_start3A_10 : memref<1x100xi32, #tpu.memory_space<vmem>> -> memref<100xi32, #tpu.memory_space<vmem>>
    %dma_start3A_12 = arith.constant 0 : i32
    %dma_start3A_13 = arith.constant 0 : i32
    %dma_start3A_14 = tpu.memref_slice %arg2[%arg0, %dma_start3A_12, %dma_start3A_13] : memref<2x10240x128xf32, #tpu.memory_space<hbm>> -> memref<1x10240x128xf32, #tpu.memory_space<hbm>>
    %dma_start3A_15 = tpu.memref_squeeze %dma_start3A_14 : memref<1x10240x128xf32, #tpu.memory_space<hbm>> -> memref<10240x128xf32, #tpu.memory_space<hbm>>
    %dma_start3A_16 = arith.constant 0 : i32
    %dma_start3A_17 = arith.constant 0 : i32
    %dma_start3A_18 = tpu.memref_slice %dma_start3A_15[%dma_start3A_16, %dma_start3A_17] : memref<10240x128xf32, #tpu.memory_space<hbm>> -> memref<10240x128xf32, #tpu.memory_space<hbm>>
    tpu.enqueue_indirect_dma source(%dma_start3A_18 : memref<10240x128xf32, #tpu.memory_space<hbm>>) target(%dma_start3A_8 : memref<100x128xf32, #tpu.memory_space<vmem>>) offsets(%dma_start3A_11 : memref<100xi32, #tpu.memory_space<vmem>>) semaphore(%arg10 : memref<!tpu.dma_semaphore, #tpu.memory_space<semaphore_mem>>)
    %dma_start3A_19 = arith.constant 1 : i32
    %dma_start3A_20 = arith.constant 1 : i32
    %dma_start3A_21 = arith.constant 0 : i32
    %dma_start3A_22 = arith.constant 0 : i32
    %dma_start3A_23 = tpu.memref_slice %arg8[%dma_start3A_20, %dma_start3A_21, %dma_start3A_22] : memref<2x100x128xf32, #tpu.memory_space<vmem>> -> memref<1x100x128xf32, #tpu.memory_space<vmem>>
    %dma_start3A_24 = tpu.memref_squeeze %dma_start3A_23 : memref<1x100x128xf32, #tpu.memory_space<vmem>> -> memref<100x128xf32, #tpu.memory_space<vmem>>
    %dma_start3A_25 = arith.constant 0 : i32
    %dma_start3A_26 = tpu.memref_slice %arg6[%dma_start3A_19, %dma_start3A_25] : memref<100x100xi32, #tpu.memory_space<vmem>> -> memref<1x100xi32, #tpu.memory_space<vmem>>
    %dma_start3A_27 = tpu.memref_squeeze %dma_start3A_26 : memref<1x100xi32, #tpu.memory_space<vmem>> -> memref<100xi32, #tpu.memory_space<vmem>>
    %dma_start3A_28 = arith.constant 0 : i32
    %dma_start3A_29 = arith.constant 0 : i32
    %dma_start3A_30 = tpu.memref_slice %arg2[%arg0, %dma_start3A_28, %dma_start3A_29] : memref<2x10240x128xf32, #tpu.memory_space<hbm>> -> memref<1x10240x128xf32, #tpu.memory_space<hbm>>
    %dma_start3A_31 = tpu.memref_squeeze %dma_start3A_30 : memref<1x10240x128xf32, #tpu.memory_space<hbm>> -> memref<10240x128xf32, #tpu.memory_space<hbm>>
    %dma_start3A_32 = arith.constant 0 : i32
    %dma_start3A_33 = arith.constant 0 : i32
    %dma_start3A_34 = tpu.memref_slice %dma_start3A_31[%dma_start3A_32, %dma_start3A_33] : memref<10240x128xf32, #tpu.memory_space<hbm>> -> memref<10240x128xf32, #tpu.memory_space<hbm>>
    tpu.enqueue_indirect_dma source(%dma_start3A_34 : memref<10240x128xf32, #tpu.memory_space<hbm>>) target(%dma_start3A_24 : memref<100x128xf32, #tpu.memory_space<vmem>>) offsets(%dma_start3A_27 : memref<100xi32, #tpu.memory_space<vmem>>) semaphore(%arg11 : memref<!tpu.dma_semaphore, #tpu.memory_space<semaphore_mem>>)
    %scan3A = arith.constant 0 : i32
    %scan3A_35 = arith.constant 50 : i32
    %scan3A_36 = arith.addi %scan3A, %scan3A_35 : i32
    %scan3A_37 = arith.constant 1 : i32
    scf.for %scan3A_44 = %scan3A to %scan3A_36 step %scan3A_37  : i32 {
      %mul3A_45 = arith.constant 2 : i32
      %mul3A_46 = arith.muli %scan3A_44, %mul3A_45 : i32
      %add3A = arith.constant 0 : i32
      %add3A_47 = arith.addi %add3A, %mul3A_46 : i32
      %add3A_48 = arith.constant 0 : i32
      %add3A_49 = arith.addi %add3A_47, %add3A_48 : i32
      %dma_wait3A = arith.constant 0 : i32
      %dma_wait3A_50 = arith.constant 0 : i32
      %dma_wait3A_51 = arith.constant 0 : i32
      %dma_wait3A_52 = tpu.memref_slice %arg8[%dma_wait3A, %dma_wait3A_50, %dma_wait3A_51] : memref<2x100x128xf32, #tpu.memory_space<vmem>> -> memref<1x100x128xf32, #tpu.memory_space<vmem>>
      %dma_wait3A_53 = tpu.memref_squeeze %dma_wait3A_52 : memref<1x100x128xf32, #tpu.memory_space<vmem>> -> memref<100x128xf32, #tpu.memory_space<vmem>>
      %dma_wait3A_54 = arith.constant 0 : i32
      %dma_wait3A_55 = tpu.memref_slice %arg6[%add3A_49, %dma_wait3A_54] : memref<100x100xi32, #tpu.memory_space<vmem>> -> memref<1x100xi32, #tpu.memory_space<vmem>>
      %dma_wait3A_56 = tpu.memref_squeeze %dma_wait3A_55 : memref<1x100xi32, #tpu.memory_space<vmem>> -> memref<100xi32, #tpu.memory_space<vmem>>
      %dma_wait3A_57 = arith.constant 0 : i32
      %dma_wait3A_58 = arith.constant 0 : i32
      %dma_wait3A_59 = tpu.memref_slice %arg2[%arg0, %dma_wait3A_57, %dma_wait3A_58] : memref<2x10240x128xf32, #tpu.memory_space<hbm>> -> memref<1x10240x128xf32, #tpu.memory_space<hbm>>
      %dma_wait3A_60 = tpu.memref_squeeze %dma_wait3A_59 : memref<1x10240x128xf32, #tpu.memory_space<hbm>> -> memref<10240x128xf32, #tpu.memory_space<hbm>>
      %dma_wait3A_61 = arith.constant 0 : i32
      %dma_wait3A_62 = arith.constant 0 : i32
      %dma_wait3A_63 = tpu.memref_slice %dma_wait3A_60[%dma_wait3A_61, %dma_wait3A_62] : memref<10240x128xf32, #tpu.memory_space<hbm>> -> memref<10240x128xf32, #tpu.memory_space<hbm>>
      tpu.wait_indirect_dma semaphore(%arg10 : memref<!tpu.dma_semaphore, #tpu.memory_space<semaphore_mem>>) src(%dma_wait3A_63 : memref<10240x128xf32, #tpu.memory_space<hbm>>) dst(%dma_wait3A_53 : memref<100x128xf32, #tpu.memory_space<vmem>>)
      %run_scoped3A_64 = arith.constant 0 : i32
      "tpu.region"() ({
        %run_scoped3A_94 = tpu.sem_alloc : memref<!tpu.dma_semaphore, #tpu.memory_space<semaphore_mem>>
        %dma_start3A_95 = arith.constant 0 : i32
        %dma_start3A_96 = arith.constant 0 : i32
        %dma_start3A_97 = tpu.memref_slice %arg8[%run_scoped3A_64, %dma_start3A_95, %dma_start3A_96] : memref<2x100x128xf32, #tpu.memory_space<vmem>> -> memref<1x100x128xf32, #tpu.memory_space<vmem>>
        %dma_start3A_98 = tpu.memref_squeeze %dma_start3A_97 : memref<1x100x128xf32, #tpu.memory_space<vmem>> -> memref<100x128xf32, #tpu.memory_space<vmem>>
        %dma_start3A_99 = arith.constant 0 : i32
        %dma_start3A_100 = tpu.memref_slice %arg7[%add3A_49, %dma_start3A_99] : memref<100x100xi32, #tpu.memory_space<vmem>> -> memref<1x100xi32, #tpu.memory_space<vmem>>
        %dma_start3A_101 = tpu.memref_squeeze %dma_start3A_100 : memref<1x100xi32, #tpu.memory_space<vmem>> -> memref<100xi32, #tpu.memory_space<vmem>>
        %dma_start3A_102 = arith.constant 0 : i32
        %dma_start3A_103 = arith.constant 0 : i32
        %dma_start3A_104 = tpu.memref_slice %arg9[%dma_start3A_102, %dma_start3A_103] : memref<10000x128xf32, #tpu.memory_space<vmem_shared>> -> memref<10000x128xf32, #tpu.memory_space<vmem_shared>>
        tpu.enqueue_indirect_dma source(%dma_start3A_98 : memref<100x128xf32, #tpu.memory_space<vmem>>) target(%dma_start3A_104 : memref<10000x128xf32, #tpu.memory_space<vmem_shared>>) offsets(%dma_start3A_101 : memref<100xi32, #tpu.memory_space<vmem>>) semaphore(%run_scoped3A_94 : memref<!tpu.dma_semaphore, #tpu.memory_space<semaphore_mem>>) {add = true}
        %dma_wait3A_105 = arith.constant 0 : i32
        %dma_wait3A_106 = arith.constant 0 : i32
        %dma_wait3A_107 = tpu.memref_slice %arg8[%run_scoped3A_64, %dma_wait3A_105, %dma_wait3A_106] : memref<2x100x128xf32, #tpu.memory_space<vmem>> -> memref<1x100x128xf32, #tpu.memory_space<vmem>>
        %dma_wait3A_108 = tpu.memref_squeeze %dma_wait3A_107 : memref<1x100x128xf32, #tpu.memory_space<vmem>> -> memref<100x128xf32, #tpu.memory_space<vmem>>
        %dma_wait3A_109 = arith.constant 0 : i32
        %dma_wait3A_110 = tpu.memref_slice %arg7[%add3A_49, %dma_wait3A_109] : memref<100x100xi32, #tpu.memory_space<vmem>> -> memref<1x100xi32, #tpu.memory_space<vmem>>
        %dma_wait3A_111 = tpu.memref_squeeze %dma_wait3A_110 : memref<1x100xi32, #tpu.memory_space<vmem>> -> memref<100xi32, #tpu.memory_space<vmem>>
        %dma_wait3A_112 = arith.constant 0 : i32
        %dma_wait3A_113 = arith.constant 0 : i32
        %dma_wait3A_114 = tpu.memref_slice %arg9[%dma_wait3A_112, %dma_wait3A_113] : memref<10000x128xf32, #tpu.memory_space<vmem_shared>> -> memref<10000x128xf32, #tpu.memory_space<vmem_shared>>
        tpu.wait_indirect_dma semaphore(%run_scoped3A_94 : memref<!tpu.dma_semaphore, #tpu.memory_space<semaphore_mem>>) src(%dma_wait3A_108 : memref<100x128xf32, #tpu.memory_space<vmem>>) dst(%dma_wait3A_114 : memref<10000x128xf32, #tpu.memory_space<vmem_shared>>)
        tpu.yield
      }) : () -> ()
      %add3A_65 = arith.constant 2 : i32
      %add3A_66 = arith.addi %add3A_49, %add3A_65 : i32
      %lt3A = arith.constant 100 : i32
      %lt3A_67 = arith.cmpi slt, %add3A_66, %lt3A : i32
      %convert_element_type3A = arith.extui %lt3A_67 : i1 to i32
      %cond3A = arith.constant 0 : i32
      %cond3A_68 = arith.cmpi ne, %convert_element_type3A, %cond3A : i32
      scf.if %cond3A_68 {
        %add3A_94 = arith.constant 2 : i32
        %add3A_95 = arith.addi %add3A_49, %add3A_94 : i32
        %dma_start3A_96 = arith.constant 0 : i32
        %dma_start3A_97 = arith.constant 0 : i32
        %dma_start3A_98 = arith.constant 0 : i32
        %dma_start3A_99 = tpu.memref_slice %arg8[%dma_start3A_96, %dma_start3A_97, %dma_start3A_98] : memref<2x100x128xf32, #tpu.memory_space<vmem>> -> memref<1x100x128xf32, #tpu.memory_space<vmem>>
        %dma_start3A_100 = tpu.memref_squeeze %dma_start3A_99 : memref<1x100x128xf32, #tpu.memory_space<vmem>> -> memref<100x128xf32, #tpu.memory_space<vmem>>
        %dma_start3A_101 = arith.constant 0 : i32
        %dma_start3A_102 = tpu.memref_slice %arg6[%add3A_95, %dma_start3A_101] : memref<100x100xi32, #tpu.memory_space<vmem>> -> memref<1x100xi32, #tpu.memory_space<vmem>>
        %dma_start3A_103 = tpu.memref_squeeze %dma_start3A_102 : memref<1x100xi32, #tpu.memory_space<vmem>> -> memref<100xi32, #tpu.memory_space<vmem>>
        %dma_start3A_104 = arith.constant 0 : i32
        %dma_start3A_105 = arith.constant 0 : i32
        %dma_start3A_106 = tpu.memref_slice %arg2[%arg0, %dma_start3A_104, %dma_start3A_105] : memref<2x10240x128xf32, #tpu.memory_space<hbm>> -> memref<1x10240x128xf32, #tpu.memory_space<hbm>>
        %dma_start3A_107 = tpu.memref_squeeze %dma_start3A_106 : memref<1x10240x128xf32, #tpu.memory_space<hbm>> -> memref<10240x128xf32, #tpu.memory_space<hbm>>
        %dma_start3A_108 = arith.constant 0 : i32
        %dma_start3A_109 = arith.constant 0 : i32
        %dma_start3A_110 = tpu.memref_slice %dma_start3A_107[%dma_start3A_108, %dma_start3A_109] : memref<10240x128xf32, #tpu.memory_space<hbm>> -> memref<10240x128xf32, #tpu.memory_space<hbm>>
        tpu.enqueue_indirect_dma source(%dma_start3A_110 : memref<10240x128xf32, #tpu.memory_space<hbm>>) target(%dma_start3A_100 : memref<100x128xf32, #tpu.memory_space<vmem>>) offsets(%dma_start3A_103 : memref<100xi32, #tpu.memory_space<vmem>>) semaphore(%arg10 : memref<!tpu.dma_semaphore, #tpu.memory_space<semaphore_mem>>)
      } else {
      }
      %add3A_69 = arith.constant 1 : i32
      %add3A_70 = arith.addi %add3A_47, %add3A_69 : i32
      %dma_wait3A_71 = arith.constant 1 : i32
      %dma_wait3A_72 = arith.constant 0 : i32
      %dma_wait3A_73 = arith.constant 0 : i32
      %dma_wait3A_74 = tpu.memref_slice %arg8[%dma_wait3A_71, %dma_wait3A_72, %dma_wait3A_73] : memref<2x100x128xf32, #tpu.memory_space<vmem>> -> memref<1x100x128xf32, #tpu.memory_space<vmem>>
      %dma_wait3A_75 = tpu.memref_squeeze %dma_wait3A_74 : memref<1x100x128xf32, #tpu.memory_space<vmem>> -> memref<100x128xf32, #tpu.memory_space<vmem>>
      %dma_wait3A_76 = arith.constant 0 : i32
      %dma_wait3A_77 = tpu.memref_slice %arg6[%add3A_70, %dma_wait3A_76] : memref<100x100xi32, #tpu.memory_space<vmem>> -> memref<1x100xi32, #tpu.memory_space<vmem>>
      %dma_wait3A_78 = tpu.memref_squeeze %dma_wait3A_77 : memref<1x100xi32, #tpu.memory_space<vmem>> -> memref<100xi32, #tpu.memory_space<vmem>>
      %dma_wait3A_79 = arith.constant 0 : i32
      %dma_wait3A_80 = arith.constant 0 : i32
      %dma_wait3A_81 = tpu.memref_slice %arg2[%arg0, %dma_wait3A_79, %dma_wait3A_80] : memref<2x10240x128xf32, #tpu.memory_space<hbm>> -> memref<1x10240x128xf32, #tpu.memory_space<hbm>>
      %dma_wait3A_82 = tpu.memref_squeeze %dma_wait3A_81 : memref<1x10240x128xf32, #tpu.memory_space<hbm>> -> memref<10240x128xf32, #tpu.memory_space<hbm>>
      %dma_wait3A_83 = arith.constant 0 : i32
      %dma_wait3A_84 = arith.constant 0 : i32
      %dma_wait3A_85 = tpu.memref_slice %dma_wait3A_82[%dma_wait3A_83, %dma_wait3A_84] : memref<10240x128xf32, #tpu.memory_space<hbm>> -> memref<10240x128xf32, #tpu.memory_space<hbm>>
      tpu.wait_indirect_dma semaphore(%arg11 : memref<!tpu.dma_semaphore, #tpu.memory_space<semaphore_mem>>) src(%dma_wait3A_85 : memref<10240x128xf32, #tpu.memory_space<hbm>>) dst(%dma_wait3A_75 : memref<100x128xf32, #tpu.memory_space<vmem>>)
      %run_scoped3A_86 = arith.constant 1 : i32
      "tpu.region"() ({
        %run_scoped3A_94 = tpu.sem_alloc : memref<!tpu.dma_semaphore, #tpu.memory_space<semaphore_mem>>
        %dma_start3A_95 = arith.constant 0 : i32
        %dma_start3A_96 = arith.constant 0 : i32
        %dma_start3A_97 = tpu.memref_slice %arg8[%run_scoped3A_86, %dma_start3A_95, %dma_start3A_96] : memref<2x100x128xf32, #tpu.memory_space<vmem>> -> memref<1x100x128xf32, #tpu.memory_space<vmem>>
        %dma_start3A_98 = tpu.memref_squeeze %dma_start3A_97 : memref<1x100x128xf32, #tpu.memory_space<vmem>> -> memref<100x128xf32, #tpu.memory_space<vmem>>
        %dma_start3A_99 = arith.constant 0 : i32
        %dma_start3A_100 = tpu.memref_slice %arg7[%add3A_70, %dma_start3A_99] : memref<100x100xi32, #tpu.memory_space<vmem>> -> memref<1x100xi32, #tpu.memory_space<vmem>>
        %dma_start3A_101 = tpu.memref_squeeze %dma_start3A_100 : memref<1x100xi32, #tpu.memory_space<vmem>> -> memref<100xi32, #tpu.memory_space<vmem>>
        %dma_start3A_102 = arith.constant 0 : i32
        %dma_start3A_103 = arith.constant 0 : i32
        %dma_start3A_104 = tpu.memref_slice %arg9[%dma_start3A_102, %dma_start3A_103] : memref<10000x128xf32, #tpu.memory_space<vmem_shared>> -> memref<10000x128xf32, #tpu.memory_space<vmem_shared>>
        tpu.enqueue_indirect_dma source(%dma_start3A_98 : memref<100x128xf32, #tpu.memory_space<vmem>>) target(%dma_start3A_104 : memref<10000x128xf32, #tpu.memory_space<vmem_shared>>) offsets(%dma_start3A_101 : memref<100xi32, #tpu.memory_space<vmem>>) semaphore(%run_scoped3A_94 : memref<!tpu.dma_semaphore, #tpu.memory_space<semaphore_mem>>) {add = true}
        %dma_wait3A_105 = arith.constant 0 : i32
        %dma_wait3A_106 = arith.constant 0 : i32
        %dma_wait3A_107 = tpu.memref_slice %arg8[%run_scoped3A_86, %dma_wait3A_105, %dma_wait3A_106] : memref<2x100x128xf32, #tpu.memory_space<vmem>> -> memref<1x100x128xf32, #tpu.memory_space<vmem>>
        %dma_wait3A_108 = tpu.memref_squeeze %dma_wait3A_107 : memref<1x100x128xf32, #tpu.memory_space<vmem>> -> memref<100x128xf32, #tpu.memory_space<vmem>>
        %dma_wait3A_109 = arith.constant 0 : i32
        %dma_wait3A_110 = tpu.memref_slice %arg7[%add3A_70, %dma_wait3A_109] : memref<100x100xi32, #tpu.memory_space<vmem>> -> memref<1x100xi32, #tpu.memory_space<vmem>>
        %dma_wait3A_111 = tpu.memref_squeeze %dma_wait3A_110 : memref<1x100xi32, #tpu.memory_space<vmem>> -> memref<100xi32, #tpu.memory_space<vmem>>
        %dma_wait3A_112 = arith.constant 0 : i32
        %dma_wait3A_113 = arith.constant 0 : i32
        %dma_wait3A_114 = tpu.memref_slice %arg9[%dma_wait3A_112, %dma_wait3A_113] : memref<10000x128xf32, #tpu.memory_space<vmem_shared>> -> memref<10000x128xf32, #tpu.memory_space<vmem_shared>>
        tpu.wait_indirect_dma semaphore(%run_scoped3A_94 : memref<!tpu.dma_semaphore, #tpu.memory_space<semaphore_mem>>) src(%dma_wait3A_108 : memref<100x128xf32, #tpu.memory_space<vmem>>) dst(%dma_wait3A_114 : memref<10000x128xf32, #tpu.memory_space<vmem_shared>>)
        tpu.yield
      }) : () -> ()
      %add3A_87 = arith.constant 2 : i32
      %add3A_88 = arith.addi %add3A_70, %add3A_87 : i32
      %lt3A_89 = arith.constant 100 : i32
      %lt3A_90 = arith.cmpi slt, %add3A_88, %lt3A_89 : i32
      %convert_element_type3A_91 = arith.extui %lt3A_90 : i1 to i32
      %cond3A_92 = arith.constant 0 : i32
      %cond3A_93 = arith.cmpi ne, %convert_element_type3A_91, %cond3A_92 : i32
      scf.if %cond3A_93 {
        %add3A_94 = arith.constant 2 : i32
        %add3A_95 = arith.addi %add3A_70, %add3A_94 : i32
        %dma_start3A_96 = arith.constant 1 : i32
        %dma_start3A_97 = arith.constant 0 : i32
        %dma_start3A_98 = arith.constant 0 : i32
        %dma_start3A_99 = tpu.memref_slice %arg8[%dma_start3A_96, %dma_start3A_97, %dma_start3A_98] : memref<2x100x128xf32, #tpu.memory_space<vmem>> -> memref<1x100x128xf32, #tpu.memory_space<vmem>>
        %dma_start3A_100 = tpu.memref_squeeze %dma_start3A_99 : memref<1x100x128xf32, #tpu.memory_space<vmem>> -> memref<100x128xf32, #tpu.memory_space<vmem>>
        %dma_start3A_101 = arith.constant 0 : i32
        %dma_start3A_102 = tpu.memref_slice %arg6[%add3A_95, %dma_start3A_101] : memref<100x100xi32, #tpu.memory_space<vmem>> -> memref<1x100xi32, #tpu.memory_space<vmem>>
        %dma_start3A_103 = tpu.memref_squeeze %dma_start3A_102 : memref<1x100xi32, #tpu.memory_space<vmem>> -> memref<100xi32, #tpu.memory_space<vmem>>
        %dma_start3A_104 = arith.constant 0 : i32
        %dma_start3A_105 = arith.constant 0 : i32
        %dma_start3A_106 = tpu.memref_slice %arg2[%arg0, %dma_start3A_104, %dma_start3A_105] : memref<2x10240x128xf32, #tpu.memory_space<hbm>> -> memref<1x10240x128xf32, #tpu.memory_space<hbm>>
        %dma_start3A_107 = tpu.memref_squeeze %dma_start3A_106 : memref<1x10240x128xf32, #tpu.memory_space<hbm>> -> memref<10240x128xf32, #tpu.memory_space<hbm>>
        %dma_start3A_108 = arith.constant 0 : i32
        %dma_start3A_109 = arith.constant 0 : i32
        %dma_start3A_110 = tpu.memref_slice %dma_start3A_107[%dma_start3A_108, %dma_start3A_109] : memref<10240x128xf32, #tpu.memory_space<hbm>> -> memref<10240x128xf32, #tpu.memory_space<hbm>>
        tpu.enqueue_indirect_dma source(%dma_start3A_110 : memref<10240x128xf32, #tpu.memory_space<hbm>>) target(%dma_start3A_100 : memref<100x128xf32, #tpu.memory_space<vmem>>) offsets(%dma_start3A_103 : memref<100xi32, #tpu.memory_space<vmem>>) semaphore(%arg11 : memref<!tpu.dma_semaphore, #tpu.memory_space<semaphore_mem>>)
      } else {
      }
    }
    %scan3A_38 = arith.constant 50 : i32
    %barrier3A_39 = arith.constant 0 : index
    tpu.barrier barrier_id(%barrier3A_39)
    %mul3A_40 = arith.constant 625 : i32
    %mul3A_41 = arith.muli %arg1, %mul3A_40 : i32
    %mul3A_42 = arith.constant 625 : i32
    %mul3A_43 = arith.muli %arg1, %mul3A_42 : i32
    "tpu.region"() ({
      %run_scoped3A_44 = tpu.sem_alloc : memref<!tpu.dma_semaphore, #tpu.memory_space<semaphore_mem>>
      %dma_start3A_45 = arith.constant 0 : i32
      %dma_start3A_46 = tpu.memref_slice %arg5[%arg0, %mul3A_43, %dma_start3A_45] : memref<2x10240x128xf32, #tpu.memory_space<hbm>> -> memref<1x625x128xf32, #tpu.memory_space<hbm>>
      %dma_start3A_47 = tpu.memref_squeeze %dma_start3A_46 : memref<1x625x128xf32, #tpu.memory_space<hbm>> -> memref<625x128xf32, #tpu.memory_space<hbm>>
      %dma_start3A_48 = arith.constant 0 : i32
      %dma_start3A_49 = tpu.memref_slice %arg9[%mul3A_41, %dma_start3A_48] : memref<10000x128xf32, #tpu.memory_space<vmem_shared>> -> memref<625x128xf32, #tpu.memory_space<vmem_shared>>
      tpu.enqueue_dma source(%dma_start3A_49 : memref<625x128xf32, #tpu.memory_space<vmem_shared>>) target(%dma_start3A_47 : memref<625x128xf32, #tpu.memory_space<hbm>>) target_semaphore(%run_scoped3A_44 : memref<!tpu.dma_semaphore, #tpu.memory_space<semaphore_mem>>)
      %dma_wait3A = arith.constant 0 : i32
      %dma_wait3A_50 = tpu.memref_slice %arg5[%arg0, %mul3A_43, %dma_wait3A] : memref<2x10240x128xf32, #tpu.memory_space<hbm>> -> memref<1x625x128xf32, #tpu.memory_space<hbm>>
      %dma_wait3A_51 = tpu.memref_squeeze %dma_wait3A_50 : memref<1x625x128xf32, #tpu.memory_space<hbm>> -> memref<625x128xf32, #tpu.memory_space<hbm>>
      %dma_wait3A_52 = arith.constant 0 : i32
      %dma_wait3A_53 = tpu.memref_slice %arg9[%mul3A_41, %dma_wait3A_52] : memref<10000x128xf32, #tpu.memory_space<vmem_shared>> -> memref<625x128xf32, #tpu.memory_space<vmem_shared>>
      tpu.wait_dma2 semaphore(%run_scoped3A_44 : memref<!tpu.dma_semaphore, #tpu.memory_space<semaphore_mem>>) src(%dma_wait3A_53 : memref<625x128xf32, #tpu.memory_space<vmem_shared>>) dst(%dma_wait3A_51 : memref<625x128xf32, #tpu.memory_space<hbm>>)
      tpu.yield
    }) : () -> ()
    return
  }
}

#map = affine_map<(d0, d1) -> (0, 0, 0)>
#map1 = affine_map<(d0, d1) -> (0, 0, 0, 0)>
#map2 = affine_map<(d0, d1) -> (0, 0)>
module attributes {stable_mosaic.version = 14 : i64} {
  func.func @body(%arg0: i32, %arg1: i32, %arg2: memref<2x10240x32xf32, #tpu.memory_space<hbm>>, %arg3: memref<2x16x100x100xi32, #tpu.memory_space<hbm>>, %arg4: memref<10000x32xf32, #tpu.memory_space<hbm>>, %arg5: memref<2x10240x32xf32, #tpu.memory_space<hbm>>, %arg6: memref<100x100xi32, #tpu.memory_space<vmem>>, %arg7: memref<100x100xi32, #tpu.memory_space<vmem>>, %arg8: memref<2x100x32xf32, #tpu.memory_space<vmem>>, %arg9: memref<10000x32xf32, #tpu.memory_space<vmem_shared>>, %arg10: memref<!tpu.dma_semaphore, #tpu.memory_space<semaphore_mem>>, %arg11: memref<!tpu.dma_semaphore, #tpu.memory_space<semaphore_mem>>) attributes {dimension_semantics = [#tpu.dimension_semantics<core_parallel>, #tpu.dimension_semantics<subcore_parallel>], iteration_bounds = array<i64: 2, 16>, scalar_prefetch = 0 : i64, scratch_operands = 6 : i64, tpu.core_type = #tpu.core_type<sc_vector_subcore>, window_params = [{transform_indices = #map}, {transform_indices = #map1}, {transform_indices = #map2}, {transform_indices = #map}]} {
    %run_scoped3A = arith.constant 0 : i32
    "tpu.region"() ({
      %run_scoped3A_44 = tpu.sem_alloc : memref<!tpu.dma_semaphore, #tpu.memory_space<semaphore_mem>>
      %dma_start3A_45 = arith.constant 0 : i32
      %dma_start3A_46 = arith.constant 0 : i32
      %dma_start3A_47 = tpu.memref_slice %arg3[%run_scoped3A, %arg1, %dma_start3A_45, %dma_start3A_46] : memref<2x16x100x100xi32, #tpu.memory_space<hbm>> -> memref<1x1x100x100xi32, #tpu.memory_space<hbm>>
      %dma_start3A_48 = tpu.memref_squeeze %dma_start3A_47 : memref<1x1x100x100xi32, #tpu.memory_space<hbm>> -> memref<100x100xi32, #tpu.memory_space<hbm>>
      %dma_start3A_49 = arith.constant 0 : i32
      %dma_start3A_50 = arith.constant 0 : i32
      %dma_start3A_51 = tpu.memref_slice %arg3[%run_scoped3A, %arg1, %dma_start3A_49, %dma_start3A_50] : memref<2x16x100x100xi32, #tpu.memory_space<hbm>> -> memref<1x1x100x100xi32, #tpu.memory_space<hbm>>
      %dma_start3A_52 = tpu.memref_squeeze %dma_start3A_51 : memref<1x1x100x100xi32, #tpu.memory_space<hbm>> -> memref<100x100xi32, #tpu.memory_space<hbm>>
      tpu.enqueue_dma source(%dma_start3A_52 : memref<100x100xi32, #tpu.memory_space<hbm>>) target(%arg6 : memref<100x100xi32, #tpu.memory_space<vmem>>) target_semaphore(%run_scoped3A_44 : memref<!tpu.dma_semaphore, #tpu.memory_space<semaphore_mem>>)
      %dma_wait3A = arith.constant 0 : i32
      %dma_wait3A_53 = arith.constant 0 : i32
      %dma_wait3A_54 = tpu.memref_slice %arg3[%run_scoped3A, %arg1, %dma_wait3A, %dma_wait3A_53] : memref<2x16x100x100xi32, #tpu.memory_space<hbm>> -> memref<1x1x100x100xi32, #tpu.memory_space<hbm>>
      %dma_wait3A_55 = tpu.memref_squeeze %dma_wait3A_54 : memref<1x1x100x100xi32, #tpu.memory_space<hbm>> -> memref<100x100xi32, #tpu.memory_space<hbm>>
      %dma_wait3A_56 = arith.constant 0 : i32
      %dma_wait3A_57 = arith.constant 0 : i32
      %dma_wait3A_58 = tpu.memref_slice %arg3[%run_scoped3A, %arg1, %dma_wait3A_56, %dma_wait3A_57] : memref<2x16x100x100xi32, #tpu.memory_space<hbm>> -> memref<1x1x100x100xi32, #tpu.memory_space<hbm>>
      %dma_wait3A_59 = tpu.memref_squeeze %dma_wait3A_58 : memref<1x1x100x100xi32, #tpu.memory_space<hbm>> -> memref<100x100xi32, #tpu.memory_space<hbm>>
      tpu.wait_dma2 semaphore(%run_scoped3A_44 : memref<!tpu.dma_semaphore, #tpu.memory_space<semaphore_mem>>) src(%dma_wait3A_59 : memref<100x100xi32, #tpu.memory_space<hbm>>) dst(%arg6 : memref<100x100xi32, #tpu.memory_space<vmem>>)
      tpu.yield
    }) : () -> ()
    %run_scoped3A_0 = arith.constant 1 : i32
    "tpu.region"() ({
      %run_scoped3A_44 = tpu.sem_alloc : memref<!tpu.dma_semaphore, #tpu.memory_space<semaphore_mem>>
      %dma_start3A_45 = arith.constant 0 : i32
      %dma_start3A_46 = arith.constant 0 : i32
      %dma_start3A_47 = tpu.memref_slice %arg3[%run_scoped3A_0, %arg1, %dma_start3A_45, %dma_start3A_46] : memref<2x16x100x100xi32, #tpu.memory_space<hbm>> -> memref<1x1x100x100xi32, #tpu.memory_space<hbm>>
      %dma_start3A_48 = tpu.memref_squeeze %dma_start3A_47 : memref<1x1x100x100xi32, #tpu.memory_space<hbm>> -> memref<100x100xi32, #tpu.memory_space<hbm>>
      %dma_start3A_49 = arith.constant 0 : i32
      %dma_start3A_50 = arith.constant 0 : i32
      %dma_start3A_51 = tpu.memref_slice %arg3[%run_scoped3A_0, %arg1, %dma_start3A_49, %dma_start3A_50] : memref<2x16x100x100xi32, #tpu.memory_space<hbm>> -> memref<1x1x100x100xi32, #tpu.memory_space<hbm>>
      %dma_start3A_52 = tpu.memref_squeeze %dma_start3A_51 : memref<1x1x100x100xi32, #tpu.memory_space<hbm>> -> memref<100x100xi32, #tpu.memory_space<hbm>>
      tpu.enqueue_dma source(%dma_start3A_52 : memref<100x100xi32, #tpu.memory_space<hbm>>) target(%arg7 : memref<100x100xi32, #tpu.memory_space<vmem>>) target_semaphore(%run_scoped3A_44 : memref<!tpu.dma_semaphore, #tpu.memory_space<semaphore_mem>>)
      %dma_wait3A = arith.constant 0 : i32
      %dma_wait3A_53 = arith.constant 0 : i32
      %dma_wait3A_54 = tpu.memref_slice %arg3[%run_scoped3A_0, %arg1, %dma_wait3A, %dma_wait3A_53] : memref<2x16x100x100xi32, #tpu.memory_space<hbm>> -> memref<1x1x100x100xi32, #tpu.memory_space<hbm>>
      %dma_wait3A_55 = tpu.memref_squeeze %dma_wait3A_54 : memref<1x1x100x100xi32, #tpu.memory_space<hbm>> -> memref<100x100xi32, #tpu.memory_space<hbm>>
      %dma_wait3A_56 = arith.constant 0 : i32
      %dma_wait3A_57 = arith.constant 0 : i32
      %dma_wait3A_58 = tpu.memref_slice %arg3[%run_scoped3A_0, %arg1, %dma_wait3A_56, %dma_wait3A_57] : memref<2x16x100x100xi32, #tpu.memory_space<hbm>> -> memref<1x1x100x100xi32, #tpu.memory_space<hbm>>
      %dma_wait3A_59 = tpu.memref_squeeze %dma_wait3A_58 : memref<1x1x100x100xi32, #tpu.memory_space<hbm>> -> memref<100x100xi32, #tpu.memory_space<hbm>>
      tpu.wait_dma2 semaphore(%run_scoped3A_44 : memref<!tpu.dma_semaphore, #tpu.memory_space<semaphore_mem>>) src(%dma_wait3A_59 : memref<100x100xi32, #tpu.memory_space<hbm>>) dst(%arg7 : memref<100x100xi32, #tpu.memory_space<vmem>>)
      tpu.yield
    }) : () -> ()
    %mul3A = arith.constant 625 : i32
    %mul3A_1 = arith.muli %arg1, %mul3A : i32
    %mul3A_2 = arith.constant 625 : i32
    %mul3A_3 = arith.muli %arg1, %mul3A_2 : i32
    "tpu.region"() ({
      %run_scoped3A_44 = tpu.sem_alloc : memref<!tpu.dma_semaphore, #tpu.memory_space<semaphore_mem>>
      %dma_start3A_45 = arith.constant 0 : i32
      %dma_start3A_46 = tpu.memref_slice %arg9[%mul3A_3, %dma_start3A_45] : memref<10000x32xf32, #tpu.memory_space<vmem_shared>> -> memref<625x32xf32, #tpu.memory_space<vmem_shared>>
      %dma_start3A_47 = arith.constant 0 : i32
      %dma_start3A_48 = tpu.memref_slice %arg4[%mul3A_1, %dma_start3A_47] : memref<10000x32xf32, #tpu.memory_space<hbm>> -> memref<625x32xf32, #tpu.memory_space<hbm>>
      tpu.enqueue_dma source(%dma_start3A_48 : memref<625x32xf32, #tpu.memory_space<hbm>>) target(%dma_start3A_46 : memref<625x32xf32, #tpu.memory_space<vmem_shared>>) target_semaphore(%run_scoped3A_44 : memref<!tpu.dma_semaphore, #tpu.memory_space<semaphore_mem>>)
      %dma_wait3A = arith.constant 0 : i32
      %dma_wait3A_49 = tpu.memref_slice %arg9[%mul3A_3, %dma_wait3A] : memref<10000x32xf32, #tpu.memory_space<vmem_shared>> -> memref<625x32xf32, #tpu.memory_space<vmem_shared>>
      %dma_wait3A_50 = arith.constant 0 : i32
      %dma_wait3A_51 = tpu.memref_slice %arg4[%mul3A_1, %dma_wait3A_50] : memref<10000x32xf32, #tpu.memory_space<hbm>> -> memref<625x32xf32, #tpu.memory_space<hbm>>
      tpu.wait_dma2 semaphore(%run_scoped3A_44 : memref<!tpu.dma_semaphore, #tpu.memory_space<semaphore_mem>>) src(%dma_wait3A_51 : memref<625x32xf32, #tpu.memory_space<hbm>>) dst(%dma_wait3A_49 : memref<625x32xf32, #tpu.memory_space<vmem_shared>>)
      tpu.yield
    }) : () -> ()
    %barrier3A = arith.constant 0 : index
    tpu.barrier barrier_id(%barrier3A)
    %dma_start3A = arith.constant 0 : i32
    %dma_start3A_4 = arith.constant 0 : i32
    %dma_start3A_5 = arith.constant 0 : i32
    %dma_start3A_6 = arith.constant 0 : i32
    %dma_start3A_7 = tpu.memref_slice %arg8[%dma_start3A_4, %dma_start3A_5, %dma_start3A_6] : memref<2x100x32xf32, #tpu.memory_space<vmem>> -> memref<1x100x32xf32, #tpu.memory_space<vmem>>
    %dma_start3A_8 = tpu.memref_squeeze %dma_start3A_7 : memref<1x100x32xf32, #tpu.memory_space<vmem>> -> memref<100x32xf32, #tpu.memory_space<vmem>>
    %dma_start3A_9 = arith.constant 0 : i32
    %dma_start3A_10 = tpu.memref_slice %arg6[%dma_start3A, %dma_start3A_9] : memref<100x100xi32, #tpu.memory_space<vmem>> -> memref<1x100xi32, #tpu.memory_space<vmem>>
    %dma_start3A_11 = tpu.memref_squeeze %dma_start3A_10 : memref<1x100xi32, #tpu.memory_space<vmem>> -> memref<100xi32, #tpu.memory_space<vmem>>
    %dma_start3A_12 = arith.constant 0 : i32
    %dma_start3A_13 = arith.constant 0 : i32
    %dma_start3A_14 = tpu.memref_slice %arg2[%arg0, %dma_start3A_12, %dma_start3A_13] : memref<2x10240x32xf32, #tpu.memory_space<hbm>> -> memref<1x10240x32xf32, #tpu.memory_space<hbm>>
    %dma_start3A_15 = tpu.memref_squeeze %dma_start3A_14 : memref<1x10240x32xf32, #tpu.memory_space<hbm>> -> memref<10240x32xf32, #tpu.memory_space<hbm>>
    %dma_start3A_16 = arith.constant 0 : i32
    %dma_start3A_17 = arith.constant 0 : i32
    %dma_start3A_18 = tpu.memref_slice %dma_start3A_15[%dma_start3A_16, %dma_start3A_17] : memref<10240x32xf32, #tpu.memory_space<hbm>> -> memref<10240x32xf32, #tpu.memory_space<hbm>>
    tpu.enqueue_indirect_dma source(%dma_start3A_18 : memref<10240x32xf32, #tpu.memory_space<hbm>>) target(%dma_start3A_8 : memref<100x32xf32, #tpu.memory_space<vmem>>) offsets(%dma_start3A_11 : memref<100xi32, #tpu.memory_space<vmem>>) semaphore(%arg10 : memref<!tpu.dma_semaphore, #tpu.memory_space<semaphore_mem>>)
    %dma_start3A_19 = arith.constant 1 : i32
    %dma_start3A_20 = arith.constant 1 : i32
    %dma_start3A_21 = arith.constant 0 : i32
    %dma_start3A_22 = arith.constant 0 : i32
    %dma_start3A_23 = tpu.memref_slice %arg8[%dma_start3A_20, %dma_start3A_21, %dma_start3A_22] : memref<2x100x32xf32, #tpu.memory_space<vmem>> -> memref<1x100x32xf32, #tpu.memory_space<vmem>>
    %dma_start3A_24 = tpu.memref_squeeze %dma_start3A_23 : memref<1x100x32xf32, #tpu.memory_space<vmem>> -> memref<100x32xf32, #tpu.memory_space<vmem>>
    %dma_start3A_25 = arith.constant 0 : i32
    %dma_start3A_26 = tpu.memref_slice %arg6[%dma_start3A_19, %dma_start3A_25] : memref<100x100xi32, #tpu.memory_space<vmem>> -> memref<1x100xi32, #tpu.memory_space<vmem>>
    %dma_start3A_27 = tpu.memref_squeeze %dma_start3A_26 : memref<1x100xi32, #tpu.memory_space<vmem>> -> memref<100xi32, #tpu.memory_space<vmem>>
    %dma_start3A_28 = arith.constant 0 : i32
    %dma_start3A_29 = arith.constant 0 : i32
    %dma_start3A_30 = tpu.memref_slice %arg2[%arg0, %dma_start3A_28, %dma_start3A_29] : memref<2x10240x32xf32, #tpu.memory_space<hbm>> -> memref<1x10240x32xf32, #tpu.memory_space<hbm>>
    %dma_start3A_31 = tpu.memref_squeeze %dma_start3A_30 : memref<1x10240x32xf32, #tpu.memory_space<hbm>> -> memref<10240x32xf32, #tpu.memory_space<hbm>>
    %dma_start3A_32 = arith.constant 0 : i32
    %dma_start3A_33 = arith.constant 0 : i32
    %dma_start3A_34 = tpu.memref_slice %dma_start3A_31[%dma_start3A_32, %dma_start3A_33] : memref<10240x32xf32, #tpu.memory_space<hbm>> -> memref<10240x32xf32, #tpu.memory_space<hbm>>
    tpu.enqueue_indirect_dma source(%dma_start3A_34 : memref<10240x32xf32, #tpu.memory_space<hbm>>) target(%dma_start3A_24 : memref<100x32xf32, #tpu.memory_space<vmem>>) offsets(%dma_start3A_27 : memref<100xi32, #tpu.memory_space<vmem>>) semaphore(%arg11 : memref<!tpu.dma_semaphore, #tpu.memory_space<semaphore_mem>>)
    %scan3A = arith.constant 0 : i32
    %scan3A_35 = arith.constant 50 : i32
    %scan3A_36 = arith.addi %scan3A, %scan3A_35 : i32
    %scan3A_37 = arith.constant 1 : i32
    scf.for %scan3A_44 = %scan3A to %scan3A_36 step %scan3A_37  : i32 {
      %mul3A_45 = arith.constant 2 : i32
      %mul3A_46 = arith.muli %scan3A_44, %mul3A_45 : i32
      %add3A = arith.constant 0 : i32
      %add3A_47 = arith.addi %add3A, %mul3A_46 : i32
      %add3A_48 = arith.constant 0 : i32
      %add3A_49 = arith.addi %add3A_47, %add3A_48 : i32
      %dma_wait3A = arith.constant 0 : i32
      %dma_wait3A_50 = arith.constant 0 : i32
      %dma_wait3A_51 = arith.constant 0 : i32
      %dma_wait3A_52 = tpu.memref_slice %arg8[%dma_wait3A, %dma_wait3A_50, %dma_wait3A_51] : memref<2x100x32xf32, #tpu.memory_space<vmem>> -> memref<1x100x32xf32, #tpu.memory_space<vmem>>
      %dma_wait3A_53 = tpu.memref_squeeze %dma_wait3A_52 : memref<1x100x32xf32, #tpu.memory_space<vmem>> -> memref<100x32xf32, #tpu.memory_space<vmem>>
      %dma_wait3A_54 = arith.constant 0 : i32
      %dma_wait3A_55 = tpu.memref_slice %arg6[%add3A_49, %dma_wait3A_54] : memref<100x100xi32, #tpu.memory_space<vmem>> -> memref<1x100xi32, #tpu.memory_space<vmem>>
      %dma_wait3A_56 = tpu.memref_squeeze %dma_wait3A_55 : memref<1x100xi32, #tpu.memory_space<vmem>> -> memref<100xi32, #tpu.memory_space<vmem>>
      %dma_wait3A_57 = arith.constant 0 : i32
      %dma_wait3A_58 = arith.constant 0 : i32
      %dma_wait3A_59 = tpu.memref_slice %arg2[%arg0, %dma_wait3A_57, %dma_wait3A_58] : memref<2x10240x32xf32, #tpu.memory_space<hbm>> -> memref<1x10240x32xf32, #tpu.memory_space<hbm>>
      %dma_wait3A_60 = tpu.memref_squeeze %dma_wait3A_59 : memref<1x10240x32xf32, #tpu.memory_space<hbm>> -> memref<10240x32xf32, #tpu.memory_space<hbm>>
      %dma_wait3A_61 = arith.constant 0 : i32
      %dma_wait3A_62 = arith.constant 0 : i32
      %dma_wait3A_63 = tpu.memref_slice %dma_wait3A_60[%dma_wait3A_61, %dma_wait3A_62] : memref<10240x32xf32, #tpu.memory_space<hbm>> -> memref<10240x32xf32, #tpu.memory_space<hbm>>
      tpu.wait_indirect_dma semaphore(%arg10 : memref<!tpu.dma_semaphore, #tpu.memory_space<semaphore_mem>>) src(%dma_wait3A_63 : memref<10240x32xf32, #tpu.memory_space<hbm>>) dst(%dma_wait3A_53 : memref<100x32xf32, #tpu.memory_space<vmem>>)
      %run_scoped3A_64 = arith.constant 0 : i32
      "tpu.region"() ({
        %run_scoped3A_94 = tpu.sem_alloc : memref<!tpu.dma_semaphore, #tpu.memory_space<semaphore_mem>>
        %dma_start3A_95 = arith.constant 0 : i32
        %dma_start3A_96 = arith.constant 0 : i32
        %dma_start3A_97 = tpu.memref_slice %arg8[%run_scoped3A_64, %dma_start3A_95, %dma_start3A_96] : memref<2x100x32xf32, #tpu.memory_space<vmem>> -> memref<1x100x32xf32, #tpu.memory_space<vmem>>
        %dma_start3A_98 = tpu.memref_squeeze %dma_start3A_97 : memref<1x100x32xf32, #tpu.memory_space<vmem>> -> memref<100x32xf32, #tpu.memory_space<vmem>>
        %dma_start3A_99 = arith.constant 0 : i32
        %dma_start3A_100 = tpu.memref_slice %arg7[%add3A_49, %dma_start3A_99] : memref<100x100xi32, #tpu.memory_space<vmem>> -> memref<1x100xi32, #tpu.memory_space<vmem>>
        %dma_start3A_101 = tpu.memref_squeeze %dma_start3A_100 : memref<1x100xi32, #tpu.memory_space<vmem>> -> memref<100xi32, #tpu.memory_space<vmem>>
        %dma_start3A_102 = arith.constant 0 : i32
        %dma_start3A_103 = arith.constant 0 : i32
        %dma_start3A_104 = tpu.memref_slice %arg9[%dma_start3A_102, %dma_start3A_103] : memref<10000x32xf32, #tpu.memory_space<vmem_shared>> -> memref<10000x32xf32, #tpu.memory_space<vmem_shared>>
        tpu.enqueue_indirect_dma source(%dma_start3A_98 : memref<100x32xf32, #tpu.memory_space<vmem>>) target(%dma_start3A_104 : memref<10000x32xf32, #tpu.memory_space<vmem_shared>>) offsets(%dma_start3A_101 : memref<100xi32, #tpu.memory_space<vmem>>) semaphore(%run_scoped3A_94 : memref<!tpu.dma_semaphore, #tpu.memory_space<semaphore_mem>>) {add = true}
        %dma_wait3A_105 = arith.constant 0 : i32
        %dma_wait3A_106 = arith.constant 0 : i32
        %dma_wait3A_107 = tpu.memref_slice %arg8[%run_scoped3A_64, %dma_wait3A_105, %dma_wait3A_106] : memref<2x100x32xf32, #tpu.memory_space<vmem>> -> memref<1x100x32xf32, #tpu.memory_space<vmem>>
        %dma_wait3A_108 = tpu.memref_squeeze %dma_wait3A_107 : memref<1x100x32xf32, #tpu.memory_space<vmem>> -> memref<100x32xf32, #tpu.memory_space<vmem>>
        %dma_wait3A_109 = arith.constant 0 : i32
        %dma_wait3A_110 = tpu.memref_slice %arg7[%add3A_49, %dma_wait3A_109] : memref<100x100xi32, #tpu.memory_space<vmem>> -> memref<1x100xi32, #tpu.memory_space<vmem>>
        %dma_wait3A_111 = tpu.memref_squeeze %dma_wait3A_110 : memref<1x100xi32, #tpu.memory_space<vmem>> -> memref<100xi32, #tpu.memory_space<vmem>>
        %dma_wait3A_112 = arith.constant 0 : i32
        %dma_wait3A_113 = arith.constant 0 : i32
        %dma_wait3A_114 = tpu.memref_slice %arg9[%dma_wait3A_112, %dma_wait3A_113] : memref<10000x32xf32, #tpu.memory_space<vmem_shared>> -> memref<10000x32xf32, #tpu.memory_space<vmem_shared>>
        tpu.wait_indirect_dma semaphore(%run_scoped3A_94 : memref<!tpu.dma_semaphore, #tpu.memory_space<semaphore_mem>>) src(%dma_wait3A_108 : memref<100x32xf32, #tpu.memory_space<vmem>>) dst(%dma_wait3A_114 : memref<10000x32xf32, #tpu.memory_space<vmem_shared>>)
        tpu.yield
      }) : () -> ()
      %add3A_65 = arith.constant 2 : i32
      %add3A_66 = arith.addi %add3A_49, %add3A_65 : i32
      %lt3A = arith.constant 100 : i32
      %lt3A_67 = arith.cmpi slt, %add3A_66, %lt3A : i32
      %convert_element_type3A = arith.extui %lt3A_67 : i1 to i32
      %cond3A = arith.constant 0 : i32
      %cond3A_68 = arith.cmpi ne, %convert_element_type3A, %cond3A : i32
      scf.if %cond3A_68 {
        %add3A_94 = arith.constant 2 : i32
        %add3A_95 = arith.addi %add3A_49, %add3A_94 : i32
        %dma_start3A_96 = arith.constant 0 : i32
        %dma_start3A_97 = arith.constant 0 : i32
        %dma_start3A_98 = arith.constant 0 : i32
        %dma_start3A_99 = tpu.memref_slice %arg8[%dma_start3A_96, %dma_start3A_97, %dma_start3A_98] : memref<2x100x32xf32, #tpu.memory_space<vmem>> -> memref<1x100x32xf32, #tpu.memory_space<vmem>>
        %dma_start3A_100 = tpu.memref_squeeze %dma_start3A_99 : memref<1x100x32xf32, #tpu.memory_space<vmem>> -> memref<100x32xf32, #tpu.memory_space<vmem>>
        %dma_start3A_101 = arith.constant 0 : i32
        %dma_start3A_102 = tpu.memref_slice %arg6[%add3A_95, %dma_start3A_101] : memref<100x100xi32, #tpu.memory_space<vmem>> -> memref<1x100xi32, #tpu.memory_space<vmem>>
        %dma_start3A_103 = tpu.memref_squeeze %dma_start3A_102 : memref<1x100xi32, #tpu.memory_space<vmem>> -> memref<100xi32, #tpu.memory_space<vmem>>
        %dma_start3A_104 = arith.constant 0 : i32
        %dma_start3A_105 = arith.constant 0 : i32
        %dma_start3A_106 = tpu.memref_slice %arg2[%arg0, %dma_start3A_104, %dma_start3A_105] : memref<2x10240x32xf32, #tpu.memory_space<hbm>> -> memref<1x10240x32xf32, #tpu.memory_space<hbm>>
        %dma_start3A_107 = tpu.memref_squeeze %dma_start3A_106 : memref<1x10240x32xf32, #tpu.memory_space<hbm>> -> memref<10240x32xf32, #tpu.memory_space<hbm>>
        %dma_start3A_108 = arith.constant 0 : i32
        %dma_start3A_109 = arith.constant 0 : i32
        %dma_start3A_110 = tpu.memref_slice %dma_start3A_107[%dma_start3A_108, %dma_start3A_109] : memref<10240x32xf32, #tpu.memory_space<hbm>> -> memref<10240x32xf32, #tpu.memory_space<hbm>>
        tpu.enqueue_indirect_dma source(%dma_start3A_110 : memref<10240x32xf32, #tpu.memory_space<hbm>>) target(%dma_start3A_100 : memref<100x32xf32, #tpu.memory_space<vmem>>) offsets(%dma_start3A_103 : memref<100xi32, #tpu.memory_space<vmem>>) semaphore(%arg10 : memref<!tpu.dma_semaphore, #tpu.memory_space<semaphore_mem>>)
      } else {
      }
      %add3A_69 = arith.constant 1 : i32
      %add3A_70 = arith.addi %add3A_47, %add3A_69 : i32
      %dma_wait3A_71 = arith.constant 1 : i32
      %dma_wait3A_72 = arith.constant 0 : i32
      %dma_wait3A_73 = arith.constant 0 : i32
      %dma_wait3A_74 = tpu.memref_slice %arg8[%dma_wait3A_71, %dma_wait3A_72, %dma_wait3A_73] : memref<2x100x32xf32, #tpu.memory_space<vmem>> -> memref<1x100x32xf32, #tpu.memory_space<vmem>>
      %dma_wait3A_75 = tpu.memref_squeeze %dma_wait3A_74 : memref<1x100x32xf32, #tpu.memory_space<vmem>> -> memref<100x32xf32, #tpu.memory_space<vmem>>
      %dma_wait3A_76 = arith.constant 0 : i32
      %dma_wait3A_77 = tpu.memref_slice %arg6[%add3A_70, %dma_wait3A_76] : memref<100x100xi32, #tpu.memory_space<vmem>> -> memref<1x100xi32, #tpu.memory_space<vmem>>
      %dma_wait3A_78 = tpu.memref_squeeze %dma_wait3A_77 : memref<1x100xi32, #tpu.memory_space<vmem>> -> memref<100xi32, #tpu.memory_space<vmem>>
      %dma_wait3A_79 = arith.constant 0 : i32
      %dma_wait3A_80 = arith.constant 0 : i32
      %dma_wait3A_81 = tpu.memref_slice %arg2[%arg0, %dma_wait3A_79, %dma_wait3A_80] : memref<2x10240x32xf32, #tpu.memory_space<hbm>> -> memref<1x10240x32xf32, #tpu.memory_space<hbm>>
      %dma_wait3A_82 = tpu.memref_squeeze %dma_wait3A_81 : memref<1x10240x32xf32, #tpu.memory_space<hbm>> -> memref<10240x32xf32, #tpu.memory_space<hbm>>
      %dma_wait3A_83 = arith.constant 0 : i32
      %dma_wait3A_84 = arith.constant 0 : i32
      %dma_wait3A_85 = tpu.memref_slice %dma_wait3A_82[%dma_wait3A_83, %dma_wait3A_84] : memref<10240x32xf32, #tpu.memory_space<hbm>> -> memref<10240x32xf32, #tpu.memory_space<hbm>>
      tpu.wait_indirect_dma semaphore(%arg11 : memref<!tpu.dma_semaphore, #tpu.memory_space<semaphore_mem>>) src(%dma_wait3A_85 : memref<10240x32xf32, #tpu.memory_space<hbm>>) dst(%dma_wait3A_75 : memref<100x32xf32, #tpu.memory_space<vmem>>)
      %run_scoped3A_86 = arith.constant 1 : i32
      "tpu.region"() ({
        %run_scoped3A_94 = tpu.sem_alloc : memref<!tpu.dma_semaphore, #tpu.memory_space<semaphore_mem>>
        %dma_start3A_95 = arith.constant 0 : i32
        %dma_start3A_96 = arith.constant 0 : i32
        %dma_start3A_97 = tpu.memref_slice %arg8[%run_scoped3A_86, %dma_start3A_95, %dma_start3A_96] : memref<2x100x32xf32, #tpu.memory_space<vmem>> -> memref<1x100x32xf32, #tpu.memory_space<vmem>>
        %dma_start3A_98 = tpu.memref_squeeze %dma_start3A_97 : memref<1x100x32xf32, #tpu.memory_space<vmem>> -> memref<100x32xf32, #tpu.memory_space<vmem>>
        %dma_start3A_99 = arith.constant 0 : i32
        %dma_start3A_100 = tpu.memref_slice %arg7[%add3A_70, %dma_start3A_99] : memref<100x100xi32, #tpu.memory_space<vmem>> -> memref<1x100xi32, #tpu.memory_space<vmem>>
        %dma_start3A_101 = tpu.memref_squeeze %dma_start3A_100 : memref<1x100xi32, #tpu.memory_space<vmem>> -> memref<100xi32, #tpu.memory_space<vmem>>
        %dma_start3A_102 = arith.constant 0 : i32
        %dma_start3A_103 = arith.constant 0 : i32
        %dma_start3A_104 = tpu.memref_slice %arg9[%dma_start3A_102, %dma_start3A_103] : memref<10000x32xf32, #tpu.memory_space<vmem_shared>> -> memref<10000x32xf32, #tpu.memory_space<vmem_shared>>
        tpu.enqueue_indirect_dma source(%dma_start3A_98 : memref<100x32xf32, #tpu.memory_space<vmem>>) target(%dma_start3A_104 : memref<10000x32xf32, #tpu.memory_space<vmem_shared>>) offsets(%dma_start3A_101 : memref<100xi32, #tpu.memory_space<vmem>>) semaphore(%run_scoped3A_94 : memref<!tpu.dma_semaphore, #tpu.memory_space<semaphore_mem>>) {add = true}
        %dma_wait3A_105 = arith.constant 0 : i32
        %dma_wait3A_106 = arith.constant 0 : i32
        %dma_wait3A_107 = tpu.memref_slice %arg8[%run_scoped3A_86, %dma_wait3A_105, %dma_wait3A_106] : memref<2x100x32xf32, #tpu.memory_space<vmem>> -> memref<1x100x32xf32, #tpu.memory_space<vmem>>
        %dma_wait3A_108 = tpu.memref_squeeze %dma_wait3A_107 : memref<1x100x32xf32, #tpu.memory_space<vmem>> -> memref<100x32xf32, #tpu.memory_space<vmem>>
        %dma_wait3A_109 = arith.constant 0 : i32
        %dma_wait3A_110 = tpu.memref_slice %arg7[%add3A_70, %dma_wait3A_109] : memref<100x100xi32, #tpu.memory_space<vmem>> -> memref<1x100xi32, #tpu.memory_space<vmem>>
        %dma_wait3A_111 = tpu.memref_squeeze %dma_wait3A_110 : memref<1x100xi32, #tpu.memory_space<vmem>> -> memref<100xi32, #tpu.memory_space<vmem>>
        %dma_wait3A_112 = arith.constant 0 : i32
        %dma_wait3A_113 = arith.constant 0 : i32
        %dma_wait3A_114 = tpu.memref_slice %arg9[%dma_wait3A_112, %dma_wait3A_113] : memref<10000x32xf32, #tpu.memory_space<vmem_shared>> -> memref<10000x32xf32, #tpu.memory_space<vmem_shared>>
        tpu.wait_indirect_dma semaphore(%run_scoped3A_94 : memref<!tpu.dma_semaphore, #tpu.memory_space<semaphore_mem>>) src(%dma_wait3A_108 : memref<100x32xf32, #tpu.memory_space<vmem>>) dst(%dma_wait3A_114 : memref<10000x32xf32, #tpu.memory_space<vmem_shared>>)
        tpu.yield
      }) : () -> ()
      %add3A_87 = arith.constant 2 : i32
      %add3A_88 = arith.addi %add3A_70, %add3A_87 : i32
      %lt3A_89 = arith.constant 100 : i32
      %lt3A_90 = arith.cmpi slt, %add3A_88, %lt3A_89 : i32
      %convert_element_type3A_91 = arith.extui %lt3A_90 : i1 to i32
      %cond3A_92 = arith.constant 0 : i32
      %cond3A_93 = arith.cmpi ne, %convert_element_type3A_91, %cond3A_92 : i32
      scf.if %cond3A_93 {
        %add3A_94 = arith.constant 2 : i32
        %add3A_95 = arith.addi %add3A_70, %add3A_94 : i32
        %dma_start3A_96 = arith.constant 1 : i32
        %dma_start3A_97 = arith.constant 0 : i32
        %dma_start3A_98 = arith.constant 0 : i32
        %dma_start3A_99 = tpu.memref_slice %arg8[%dma_start3A_96, %dma_start3A_97, %dma_start3A_98] : memref<2x100x32xf32, #tpu.memory_space<vmem>> -> memref<1x100x32xf32, #tpu.memory_space<vmem>>
        %dma_start3A_100 = tpu.memref_squeeze %dma_start3A_99 : memref<1x100x32xf32, #tpu.memory_space<vmem>> -> memref<100x32xf32, #tpu.memory_space<vmem>>
        %dma_start3A_101 = arith.constant 0 : i32
        %dma_start3A_102 = tpu.memref_slice %arg6[%add3A_95, %dma_start3A_101] : memref<100x100xi32, #tpu.memory_space<vmem>> -> memref<1x100xi32, #tpu.memory_space<vmem>>
        %dma_start3A_103 = tpu.memref_squeeze %dma_start3A_102 : memref<1x100xi32, #tpu.memory_space<vmem>> -> memref<100xi32, #tpu.memory_space<vmem>>
        %dma_start3A_104 = arith.constant 0 : i32
        %dma_start3A_105 = arith.constant 0 : i32
        %dma_start3A_106 = tpu.memref_slice %arg2[%arg0, %dma_start3A_104, %dma_start3A_105] : memref<2x10240x32xf32, #tpu.memory_space<hbm>> -> memref<1x10240x32xf32, #tpu.memory_space<hbm>>
        %dma_start3A_107 = tpu.memref_squeeze %dma_start3A_106 : memref<1x10240x32xf32, #tpu.memory_space<hbm>> -> memref<10240x32xf32, #tpu.memory_space<hbm>>
        %dma_start3A_108 = arith.constant 0 : i32
        %dma_start3A_109 = arith.constant 0 : i32
        %dma_start3A_110 = tpu.memref_slice %dma_start3A_107[%dma_start3A_108, %dma_start3A_109] : memref<10240x32xf32, #tpu.memory_space<hbm>> -> memref<10240x32xf32, #tpu.memory_space<hbm>>
        tpu.enqueue_indirect_dma source(%dma_start3A_110 : memref<10240x32xf32, #tpu.memory_space<hbm>>) target(%dma_start3A_100 : memref<100x32xf32, #tpu.memory_space<vmem>>) offsets(%dma_start3A_103 : memref<100xi32, #tpu.memory_space<vmem>>) semaphore(%arg11 : memref<!tpu.dma_semaphore, #tpu.memory_space<semaphore_mem>>)
      } else {
      }
    }
    %scan3A_38 = arith.constant 50 : i32
    %barrier3A_39 = arith.constant 0 : index
    tpu.barrier barrier_id(%barrier3A_39)
    %mul3A_40 = arith.constant 625 : i32
    %mul3A_41 = arith.muli %arg1, %mul3A_40 : i32
    %mul3A_42 = arith.constant 625 : i32
    %mul3A_43 = arith.muli %arg1, %mul3A_42 : i32
    "tpu.region"() ({
      %run_scoped3A_44 = tpu.sem_alloc : memref<!tpu.dma_semaphore, #tpu.memory_space<semaphore_mem>>
      %dma_start3A_45 = arith.constant 0 : i32
      %dma_start3A_46 = tpu.memref_slice %arg5[%arg0, %mul3A_43, %dma_start3A_45] : memref<2x10240x32xf32, #tpu.memory_space<hbm>> -> memref<1x625x32xf32, #tpu.memory_space<hbm>>
      %dma_start3A_47 = tpu.memref_squeeze %dma_start3A_46 : memref<1x625x32xf32, #tpu.memory_space<hbm>> -> memref<625x32xf32, #tpu.memory_space<hbm>>
      %dma_start3A_48 = arith.constant 0 : i32
      %dma_start3A_49 = tpu.memref_slice %arg9[%mul3A_41, %dma_start3A_48] : memref<10000x32xf32, #tpu.memory_space<vmem_shared>> -> memref<625x32xf32, #tpu.memory_space<vmem_shared>>
      tpu.enqueue_dma source(%dma_start3A_49 : memref<625x32xf32, #tpu.memory_space<vmem_shared>>) target(%dma_start3A_47 : memref<625x32xf32, #tpu.memory_space<hbm>>) target_semaphore(%run_scoped3A_44 : memref<!tpu.dma_semaphore, #tpu.memory_space<semaphore_mem>>)
      %dma_wait3A = arith.constant 0 : i32
      %dma_wait3A_50 = tpu.memref_slice %arg5[%arg0, %mul3A_43, %dma_wait3A] : memref<2x10240x32xf32, #tpu.memory_space<hbm>> -> memref<1x625x32xf32, #tpu.memory_space<hbm>>
      %dma_wait3A_51 = tpu.memref_squeeze %dma_wait3A_50 : memref<1x625x32xf32, #tpu.memory_space<hbm>> -> memref<625x32xf32, #tpu.memory_space<hbm>>
      %dma_wait3A_52 = arith.constant 0 : i32
      %dma_wait3A_53 = tpu.memref_slice %arg9[%mul3A_41, %dma_wait3A_52] : memref<10000x32xf32, #tpu.memory_space<vmem_shared>> -> memref<625x32xf32, #tpu.memory_space<vmem_shared>>
      tpu.wait_dma2 semaphore(%run_scoped3A_44 : memref<!tpu.dma_semaphore, #tpu.memory_space<semaphore_mem>>) src(%dma_wait3A_53 : memref<625x32xf32, #tpu.memory_space<vmem_shared>>) dst(%dma_wait3A_51 : memref<625x32xf32, #tpu.memory_space<hbm>>)
      tpu.yield
    }) : () -> ()
    return
  }
}

module attributes {stable_mosaic.version = 14 : i64} {
  func.func @_mm1_body(%arg0: i32, %arg1: memref<512x256xf32, #tpu.memory_space<vmem>>, %arg2: memref<16x512xf32, #tpu.memory_space<vmem>>, %arg3: memref<256x256xf32, #tpu.memory_space<vmem>>, %arg4: memref<2x512x128xf32, #tpu.memory_space<vmem>>) attributes {dimension_semantics = [#tpu.dimension_semantics<arbitrary>], iteration_bounds = array<i64: 20>, scalar_prefetch = 0 : i64, scratch_operands = 0 : i64, tpu.core_type = #tpu.core_type<tc>, window_params = [{transform_indices = @transform_0, window_bounds = array<i64: 512, 256>}, {transform_indices = @transform_1, window_bounds = array<i64: 16, 512>}, {pipeline_mode = #tpu.pipeline_mode<synchronous>, transform_indices = @transform_2, window_bounds = array<i64: 256, 256>}, {transform_indices = @transform_3, window_bounds = array<i64: 2, 512, 128>}]} {
    %get3A = arith.constant 0 : index
    %get3A_0 = arith.constant 0 : index
    %get3A_1 = vector.load %arg2[%get3A, %get3A_0] : memref<16x512xf32, #tpu.memory_space<vmem>>, vector<16x512xf32>
    %reduce_sum3A = arith.constant dense<0.000000e+00> : vector<512xf32>
    %reduce_sum3A_2 = vector.multi_reduction <add>, %get3A_1, %reduce_sum3A [0] : vector<16x512xf32> to vector<512xf32>
    %max3A = arith.constant 1.000000e+00 : f32
    %max3A_3 = vector.broadcast %max3A : f32 to vector<512xf32>
    %max3A_4 = arith.maximumf %reduce_sum3A_2, %max3A_3 : vector<512xf32>
    %rsqrt3A = math.rsqrt %max3A_4 : vector<512xf32>
    %get3A_5 = arith.constant 0 : index
    %get3A_6 = arith.constant 0 : index
    %get3A_7 = vector.load %arg1[%get3A_5, %get3A_6] : memref<512x256xf32, #tpu.memory_space<vmem>>, vector<512x256xf32>
    %broadcast_in_dim3A = vector.shape_cast %rsqrt3A : vector<512xf32> to vector<512x1xf32>
    %mul3A = vector.broadcast %broadcast_in_dim3A : vector<512x1xf32> to vector<512x256xf32>
    %mul3A_8 = arith.mulf %get3A_7, %mul3A : vector<512x256xf32>
    %get3A_9 = arith.constant 0 : index
    %get3A_10 = arith.constant 0 : index
    %get3A_11 = vector.load %arg3[%get3A_9, %get3A_10] : memref<256x256xf32, #tpu.memory_space<vmem>>, vector<256x256xf32>
    %dot_general3A = arith.constant dense<0.000000e+00> : vector<512x256xf32>
    %dot_general3A_12 = tpu.matmul %mul3A_8, %get3A_11, %dot_general3A {dimension_numbers = #tpu.dot_dimension_numbers<[1], [0], [0], [1], [0, 0, 1, 1], [], []>, transpose_lhs_hint = false} : vector<512x256xf32>, vector<256x256xf32>, vector<512x256xf32> -> vector<512x256xf32>
    %slice3A = vector.extract_strided_slice %dot_general3A_12 {offsets = [0, 0], sizes = [512, 128], strides = [1, 1]} : vector<512x256xf32> to vector<512x128xf32>
    %swap3A = arith.constant 0 : index
    %swap3A_13 = arith.constant 0 : index
    %swap3A_14 = arith.constant 0 : index
    %swap3A_15 = vector.load %arg4[%swap3A, %swap3A_13, %swap3A_14] : memref<2x512x128xf32, #tpu.memory_space<vmem>>, vector<1x512x128xf32>
    %swap3A_16 = vector.shape_cast %swap3A_15 : vector<1x512x128xf32> to vector<512x128xf32>
    %swap3A_17 = vector.shape_cast %slice3A : vector<512x128xf32> to vector<1x512x128xf32>
    tpu.vector_store %arg4[%swap3A, %swap3A_13, %swap3A_14], %swap3A_17 {strides = array<i32>} : memref<2x512x128xf32, #tpu.memory_space<vmem>>, vector<1x512x128xf32>,
    %slice3A_18 = vector.extract_strided_slice %dot_general3A_12 {offsets = [0, 128], sizes = [512, 128], strides = [1, 1]} : vector<512x256xf32> to vector<512x128xf32>
    %swap3A_19 = arith.constant 1 : index
    %swap3A_20 = arith.constant 0 : index
    %swap3A_21 = arith.constant 0 : index
    %swap3A_22 = vector.load %arg4[%swap3A_19, %swap3A_20, %swap3A_21] : memref<2x512x128xf32, #tpu.memory_space<vmem>>, vector<1x512x128xf32>
    %swap3A_23 = vector.shape_cast %swap3A_22 : vector<1x512x128xf32> to vector<512x128xf32>
    %swap3A_24 = vector.shape_cast %slice3A_18 : vector<512x128xf32> to vector<1x512x128xf32>
    tpu.vector_store %arg4[%swap3A_19, %swap3A_20, %swap3A_21], %swap3A_24 {strides = array<i32>} : memref<2x512x128xf32, #tpu.memory_space<vmem>>, vector<1x512x128xf32>,
    return
  }
  func.func @transform_0(%arg0: i32) -> (i32, i32) {
    %c0_i32 = arith.constant 0 : i32
    %c0_i32_0 = arith.constant 0 : i32
    return %arg0, %c0_i32 : i32, i32
  }
  func.func @transform_1(%arg0: i32) -> (i32, i32) {
    %c0_i32 = arith.constant 0 : i32
    %c0_i32_0 = arith.constant 0 : i32
    return %c0_i32, %arg0 : i32, i32
  }
  func.func @transform_2(%arg0: i32) -> (i32, i32) {
    %c0_i32 = arith.constant 0 : i32
    %c0_i32_0 = arith.constant 0 : i32
    %c0_i32_1 = arith.constant 0 : i32
    return %c0_i32, %c0_i32_0 : i32, i32
  }
  func.func @transform_3(%arg0: i32) -> (i32, i32, i32) {
    %c0_i32 = arith.constant 0 : i32
    %c0_i32_0 = arith.constant 0 : i32
    %c0_i32_1 = arith.constant 0 : i32
    return %c0_i32, %arg0, %c0_i32_0 : i32, i32, i32
  }
}

module attributes {stable_mosaic.version = 14 : i64} {
  func.func @_mm_mid_body(%arg0: i32, %arg1: memref<2x512x128xf32, #tpu.memory_space<vmem>>, %arg2: memref<16x512xf32, #tpu.memory_space<vmem>>, %arg3: memref<16x512xf32, #tpu.memory_space<vmem>>, %arg4: memref<256xf32, #tpu.memory_space<vmem>>, %arg5: memref<256x256xf32, #tpu.memory_space<vmem>>, %arg6: memref<2x512x128xf32, #tpu.memory_space<vmem>>) attributes {dimension_semantics = [#tpu.dimension_semantics<arbitrary>], iteration_bounds = array<i64: 20>, scalar_prefetch = 0 : i64, scratch_operands = 0 : i64, tpu.core_type = #tpu.core_type<tc>, window_params = [{transform_indices = @transform_0, window_bounds = array<i64: 2, 512, 128>}, {transform_indices = @transform_1, window_bounds = array<i64: 16, 512>}, {transform_indices = @transform_2, window_bounds = array<i64: 16, 512>}, {pipeline_mode = #tpu.pipeline_mode<synchronous>, transform_indices = @transform_3, window_bounds = array<i64: 256>}, {pipeline_mode = #tpu.pipeline_mode<synchronous>, transform_indices = @transform_4, window_bounds = array<i64: 256, 256>}, {transform_indices = @transform_5, window_bounds = array<i64: 2, 512, 128>}]} {
    %get3A = arith.constant 0 : index
    %get3A_0 = arith.constant 0 : index
    %get3A_1 = vector.load %arg2[%get3A, %get3A_0] : memref<16x512xf32, #tpu.memory_space<vmem>>, vector<16x512xf32>
    %reduce_sum3A = arith.constant dense<0.000000e+00> : vector<512xf32>
    %reduce_sum3A_2 = vector.multi_reduction <add>, %get3A_1, %reduce_sum3A [0] : vector<16x512xf32> to vector<512xf32>
    %max3A = arith.constant 1.000000e+00 : f32
    %max3A_3 = vector.broadcast %max3A : f32 to vector<512xf32>
    %max3A_4 = arith.maximumf %reduce_sum3A_2, %max3A_3 : vector<512xf32>
    %rsqrt3A = math.rsqrt %max3A_4 : vector<512xf32>
    %get3A_5 = arith.constant 0 : index
    %get3A_6 = arith.constant 0 : index
    %get3A_7 = vector.load %arg3[%get3A_5, %get3A_6] : memref<16x512xf32, #tpu.memory_space<vmem>>, vector<16x512xf32>
    %reduce_sum3A_8 = arith.constant dense<0.000000e+00> : vector<512xf32>
    %reduce_sum3A_9 = vector.multi_reduction <add>, %get3A_7, %reduce_sum3A_8 [0] : vector<16x512xf32> to vector<512xf32>
    %max3A_10 = arith.constant 1.000000e+00 : f32
    %max3A_11 = vector.broadcast %max3A_10 : f32 to vector<512xf32>
    %max3A_12 = arith.maximumf %reduce_sum3A_9, %max3A_11 : vector<512xf32>
    %rsqrt3A_13 = math.rsqrt %max3A_12 : vector<512xf32>
    %get3A_14 = arith.constant 0 : index
    %get3A_15 = arith.constant 0 : index
    %get3A_16 = arith.constant 0 : index
    %get3A_17 = vector.load %arg1[%get3A_14, %get3A_15, %get3A_16] : memref<2x512x128xf32, #tpu.memory_space<vmem>>, vector<1x512x128xf32>
    %get3A_18 = vector.shape_cast %get3A_17 : vector<1x512x128xf32> to vector<512x128xf32>
    %get3A_19 = arith.constant 1 : index
    %get3A_20 = arith.constant 0 : index
    %get3A_21 = arith.constant 0 : index
    %get3A_22 = vector.load %arg1[%get3A_19, %get3A_20, %get3A_21] : memref<2x512x128xf32, #tpu.memory_space<vmem>>, vector<1x512x128xf32>
    %get3A_23 = vector.shape_cast %get3A_22 : vector<1x512x128xf32> to vector<512x128xf32>
    %concatenate3A = tpu.concatenate %get3A_18, %get3A_23 in 1 : vector<512x128xf32>, vector<512x128xf32> -> vector<512x256xf32>
    %broadcast_in_dim3A = vector.shape_cast %rsqrt3A_13 : vector<512xf32> to vector<512x1xf32>
    %mul3A = vector.broadcast %broadcast_in_dim3A : vector<512x1xf32> to vector<512x256xf32>
    %mul3A_24 = arith.mulf %mul3A, %concatenate3A : vector<512x256xf32>
    %get3A_25 = arith.constant 0 : index
    %get3A_26 = vector.load %arg4[%get3A_25] : memref<256xf32, #tpu.memory_space<vmem>>, vector<256xf32>
    %broadcast_in_dim3A_27 = vector.shape_cast %get3A_26 : vector<256xf32> to vector<1x256xf32>
    %add3A = vector.broadcast %broadcast_in_dim3A_27 : vector<1x256xf32> to vector<512x256xf32>
    %add3A_28 = arith.addf %mul3A_24, %add3A : vector<512x256xf32>
    %max3A_29 = arith.constant 0.000000e+00 : f32
    %max3A_30 = vector.broadcast %max3A_29 : f32 to vector<512x256xf32>
    %max3A_31 = arith.maximumf %add3A_28, %max3A_30 : vector<512x256xf32>
    %broadcast_in_dim3A_32 = vector.shape_cast %rsqrt3A : vector<512xf32> to vector<512x1xf32>
    %mul3A_33 = vector.broadcast %broadcast_in_dim3A_32 : vector<512x1xf32> to vector<512x256xf32>
    %mul3A_34 = arith.mulf %max3A_31, %mul3A_33 : vector<512x256xf32>
    %get3A_35 = arith.constant 0 : index
    %get3A_36 = arith.constant 0 : index
    %get3A_37 = vector.load %arg5[%get3A_35, %get3A_36] : memref<256x256xf32, #tpu.memory_space<vmem>>, vector<256x256xf32>
    %dot_general3A = arith.constant dense<0.000000e+00> : vector<512x256xf32>
    %dot_general3A_38 = tpu.matmul %mul3A_34, %get3A_37, %dot_general3A {dimension_numbers = #tpu.dot_dimension_numbers<[1], [0], [0], [1], [0, 0, 1, 1], [], []>, transpose_lhs_hint = false} : vector<512x256xf32>, vector<256x256xf32>, vector<512x256xf32> -> vector<512x256xf32>
    %slice3A = vector.extract_strided_slice %dot_general3A_38 {offsets = [0, 0], sizes = [512, 128], strides = [1, 1]} : vector<512x256xf32> to vector<512x128xf32>
    %swap3A = arith.constant 0 : index
    %swap3A_39 = arith.constant 0 : index
    %swap3A_40 = arith.constant 0 : index
    %swap3A_41 = vector.load %arg6[%swap3A, %swap3A_39, %swap3A_40] : memref<2x512x128xf32, #tpu.memory_space<vmem>>, vector<1x512x128xf32>
    %swap3A_42 = vector.shape_cast %swap3A_41 : vector<1x512x128xf32> to vector<512x128xf32>
    %swap3A_43 = vector.shape_cast %slice3A : vector<512x128xf32> to vector<1x512x128xf32>
    tpu.vector_store %arg6[%swap3A, %swap3A_39, %swap3A_40], %swap3A_43 {strides = array<i32>} : memref<2x512x128xf32, #tpu.memory_space<vmem>>, vector<1x512x128xf32>,
    %slice3A_44 = vector.extract_strided_slice %dot_general3A_38 {offsets = [0, 128], sizes = [512, 128], strides = [1, 1]} : vector<512x256xf32> to vector<512x128xf32>
    %swap3A_45 = arith.constant 1 : index
    %swap3A_46 = arith.constant 0 : index
    %swap3A_47 = arith.constant 0 : index
    %swap3A_48 = vector.load %arg6[%swap3A_45, %swap3A_46, %swap3A_47] : memref<2x512x128xf32, #tpu.memory_space<vmem>>, vector<1x512x128xf32>
    %swap3A_49 = vector.shape_cast %swap3A_48 : vector<1x512x128xf32> to vector<512x128xf32>
    %swap3A_50 = vector.shape_cast %slice3A_44 : vector<512x128xf32> to vector<1x512x128xf32>
    tpu.vector_store %arg6[%swap3A_45, %swap3A_46, %swap3A_47], %swap3A_50 {strides = array<i32>} : memref<2x512x128xf32, #tpu.memory_space<vmem>>, vector<1x512x128xf32>,
    return
  }
  func.func @transform_0(%arg0: i32) -> (i32, i32, i32) {
    %c0_i32 = arith.constant 0 : i32
    %c0_i32_0 = arith.constant 0 : i32
    %c0_i32_1 = arith.constant 0 : i32
    return %c0_i32, %arg0, %c0_i32_0 : i32, i32, i32
  }
  func.func @transform_1(%arg0: i32) -> (i32, i32) {
    %c0_i32 = arith.constant 0 : i32
    %c0_i32_0 = arith.constant 0 : i32
    return %c0_i32, %arg0 : i32, i32
  }
  func.func @transform_2(%arg0: i32) -> (i32, i32) {
    %c0_i32 = arith.constant 0 : i32
    %c0_i32_0 = arith.constant 0 : i32
    return %c0_i32, %arg0 : i32, i32
  }
  func.func @transform_3(%arg0: i32) -> i32 {
    %c0_i32 = arith.constant 0 : i32
    %c0_i32_0 = arith.constant 0 : i32
    return %c0_i32 : i32
  }
  func.func @transform_4(%arg0: i32) -> (i32, i32) {
    %c0_i32 = arith.constant 0 : i32
    %c0_i32_0 = arith.constant 0 : i32
    %c0_i32_1 = arith.constant 0 : i32
    return %c0_i32, %c0_i32_0 : i32, i32
  }
  func.func @transform_5(%arg0: i32) -> (i32, i32, i32) {
    %c0_i32 = arith.constant 0 : i32
    %c0_i32_0 = arith.constant 0 : i32
    %c0_i32_1 = arith.constant 0 : i32
    return %c0_i32, %arg0, %c0_i32_0 : i32, i32, i32
  }
}

module attributes {stable_mosaic.version = 14 : i64} {
  func.func @_mm_mid_body(%arg0: i32, %arg1: memref<2x512x128xf32, #tpu.memory_space<vmem>>, %arg2: memref<16x512xf32, #tpu.memory_space<vmem>>, %arg3: memref<16x512xf32, #tpu.memory_space<vmem>>, %arg4: memref<256xf32, #tpu.memory_space<vmem>>, %arg5: memref<256x64xf32, #tpu.memory_space<vmem>>, %arg6: memref<2x512x32xf32, #tpu.memory_space<vmem>>) attributes {dimension_semantics = [#tpu.dimension_semantics<arbitrary>], iteration_bounds = array<i64: 20>, scalar_prefetch = 0 : i64, scratch_operands = 0 : i64, tpu.core_type = #tpu.core_type<tc>, window_params = [{transform_indices = @transform_0, window_bounds = array<i64: 2, 512, 128>}, {transform_indices = @transform_1, window_bounds = array<i64: 16, 512>}, {transform_indices = @transform_2, window_bounds = array<i64: 16, 512>}, {pipeline_mode = #tpu.pipeline_mode<synchronous>, transform_indices = @transform_3, window_bounds = array<i64: 256>}, {pipeline_mode = #tpu.pipeline_mode<synchronous>, transform_indices = @transform_4, window_bounds = array<i64: 256, 64>}, {transform_indices = @transform_5, window_bounds = array<i64: 2, 512, 32>}]} {
    %get3A = arith.constant 0 : index
    %get3A_0 = arith.constant 0 : index
    %get3A_1 = vector.load %arg2[%get3A, %get3A_0] : memref<16x512xf32, #tpu.memory_space<vmem>>, vector<16x512xf32>
    %reduce_sum3A = arith.constant dense<0.000000e+00> : vector<512xf32>
    %reduce_sum3A_2 = vector.multi_reduction <add>, %get3A_1, %reduce_sum3A [0] : vector<16x512xf32> to vector<512xf32>
    %max3A = arith.constant 1.000000e+00 : f32
    %max3A_3 = vector.broadcast %max3A : f32 to vector<512xf32>
    %max3A_4 = arith.maximumf %reduce_sum3A_2, %max3A_3 : vector<512xf32>
    %rsqrt3A = math.rsqrt %max3A_4 : vector<512xf32>
    %get3A_5 = arith.constant 0 : index
    %get3A_6 = arith.constant 0 : index
    %get3A_7 = vector.load %arg3[%get3A_5, %get3A_6] : memref<16x512xf32, #tpu.memory_space<vmem>>, vector<16x512xf32>
    %reduce_sum3A_8 = arith.constant dense<0.000000e+00> : vector<512xf32>
    %reduce_sum3A_9 = vector.multi_reduction <add>, %get3A_7, %reduce_sum3A_8 [0] : vector<16x512xf32> to vector<512xf32>
    %max3A_10 = arith.constant 1.000000e+00 : f32
    %max3A_11 = vector.broadcast %max3A_10 : f32 to vector<512xf32>
    %max3A_12 = arith.maximumf %reduce_sum3A_9, %max3A_11 : vector<512xf32>
    %rsqrt3A_13 = math.rsqrt %max3A_12 : vector<512xf32>
    %get3A_14 = arith.constant 0 : index
    %get3A_15 = arith.constant 0 : index
    %get3A_16 = arith.constant 0 : index
    %get3A_17 = vector.load %arg1[%get3A_14, %get3A_15, %get3A_16] : memref<2x512x128xf32, #tpu.memory_space<vmem>>, vector<1x512x128xf32>
    %get3A_18 = vector.shape_cast %get3A_17 : vector<1x512x128xf32> to vector<512x128xf32>
    %get3A_19 = arith.constant 1 : index
    %get3A_20 = arith.constant 0 : index
    %get3A_21 = arith.constant 0 : index
    %get3A_22 = vector.load %arg1[%get3A_19, %get3A_20, %get3A_21] : memref<2x512x128xf32, #tpu.memory_space<vmem>>, vector<1x512x128xf32>
    %get3A_23 = vector.shape_cast %get3A_22 : vector<1x512x128xf32> to vector<512x128xf32>
    %concatenate3A = tpu.concatenate %get3A_18, %get3A_23 in 1 : vector<512x128xf32>, vector<512x128xf32> -> vector<512x256xf32>
    %broadcast_in_dim3A = vector.shape_cast %rsqrt3A_13 : vector<512xf32> to vector<512x1xf32>
    %mul3A = vector.broadcast %broadcast_in_dim3A : vector<512x1xf32> to vector<512x256xf32>
    %mul3A_24 = arith.mulf %mul3A, %concatenate3A : vector<512x256xf32>
    %get3A_25 = arith.constant 0 : index
    %get3A_26 = vector.load %arg4[%get3A_25] : memref<256xf32, #tpu.memory_space<vmem>>, vector<256xf32>
    %broadcast_in_dim3A_27 = vector.shape_cast %get3A_26 : vector<256xf32> to vector<1x256xf32>
    %add3A = vector.broadcast %broadcast_in_dim3A_27 : vector<1x256xf32> to vector<512x256xf32>
    %add3A_28 = arith.addf %mul3A_24, %add3A : vector<512x256xf32>
    %max3A_29 = arith.constant 0.000000e+00 : f32
    %max3A_30 = vector.broadcast %max3A_29 : f32 to vector<512x256xf32>
    %max3A_31 = arith.maximumf %add3A_28, %max3A_30 : vector<512x256xf32>
    %broadcast_in_dim3A_32 = vector.shape_cast %rsqrt3A : vector<512xf32> to vector<512x1xf32>
    %mul3A_33 = vector.broadcast %broadcast_in_dim3A_32 : vector<512x1xf32> to vector<512x256xf32>
    %mul3A_34 = arith.mulf %max3A_31, %mul3A_33 : vector<512x256xf32>
    %get3A_35 = arith.constant 0 : index
    %get3A_36 = arith.constant 0 : index
    %get3A_37 = vector.load %arg5[%get3A_35, %get3A_36] : memref<256x64xf32, #tpu.memory_space<vmem>>, vector<256x64xf32>
    %dot_general3A = arith.constant dense<0.000000e+00> : vector<512x64xf32>
    %dot_general3A_38 = tpu.matmul %mul3A_34, %get3A_37, %dot_general3A {dimension_numbers = #tpu.dot_dimension_numbers<[1], [0], [0], [1], [0, 0, 1, 1], [], []>, transpose_lhs_hint = false} : vector<512x256xf32>, vector<256x64xf32>, vector<512x64xf32> -> vector<512x64xf32>
    %slice3A = vector.extract_strided_slice %dot_general3A_38 {offsets = [0, 0], sizes = [512, 32], strides = [1, 1]} : vector<512x64xf32> to vector<512x32xf32>
    %swap3A = arith.constant 0 : index
    %swap3A_39 = arith.constant 0 : index
    %swap3A_40 = arith.constant 0 : index
    %swap3A_41 = vector.load %arg6[%swap3A, %swap3A_39, %swap3A_40] : memref<2x512x32xf32, #tpu.memory_space<vmem>>, vector<1x512x32xf32>
    %swap3A_42 = vector.shape_cast %swap3A_41 : vector<1x512x32xf32> to vector<512x32xf32>
    %swap3A_43 = vector.shape_cast %slice3A : vector<512x32xf32> to vector<1x512x32xf32>
    tpu.vector_store %arg6[%swap3A, %swap3A_39, %swap3A_40], %swap3A_43 {strides = array<i32>} : memref<2x512x32xf32, #tpu.memory_space<vmem>>, vector<1x512x32xf32>,
    %slice3A_44 = vector.extract_strided_slice %dot_general3A_38 {offsets = [0, 32], sizes = [512, 32], strides = [1, 1]} : vector<512x64xf32> to vector<512x32xf32>
    %swap3A_45 = arith.constant 1 : index
    %swap3A_46 = arith.constant 0 : index
    %swap3A_47 = arith.constant 0 : index
    %swap3A_48 = vector.load %arg6[%swap3A_45, %swap3A_46, %swap3A_47] : memref<2x512x32xf32, #tpu.memory_space<vmem>>, vector<1x512x32xf32>
    %swap3A_49 = vector.shape_cast %swap3A_48 : vector<1x512x32xf32> to vector<512x32xf32>
    %swap3A_50 = vector.shape_cast %slice3A_44 : vector<512x32xf32> to vector<1x512x32xf32>
    tpu.vector_store %arg6[%swap3A_45, %swap3A_46, %swap3A_47], %swap3A_50 {strides = array<i32>} : memref<2x512x32xf32, #tpu.memory_space<vmem>>, vector<1x512x32xf32>,
    return
  }
  func.func @transform_0(%arg0: i32) -> (i32, i32, i32) {
    %c0_i32 = arith.constant 0 : i32
    %c0_i32_0 = arith.constant 0 : i32
    %c0_i32_1 = arith.constant 0 : i32
    return %c0_i32, %arg0, %c0_i32_0 : i32, i32, i32
  }
  func.func @transform_1(%arg0: i32) -> (i32, i32) {
    %c0_i32 = arith.constant 0 : i32
    %c0_i32_0 = arith.constant 0 : i32
    return %c0_i32, %arg0 : i32, i32
  }
  func.func @transform_2(%arg0: i32) -> (i32, i32) {
    %c0_i32 = arith.constant 0 : i32
    %c0_i32_0 = arith.constant 0 : i32
    return %c0_i32, %arg0 : i32, i32
  }
  func.func @transform_3(%arg0: i32) -> i32 {
    %c0_i32 = arith.constant 0 : i32
    %c0_i32_0 = arith.constant 0 : i32
    return %c0_i32 : i32
  }
  func.func @transform_4(%arg0: i32) -> (i32, i32) {
    %c0_i32 = arith.constant 0 : i32
    %c0_i32_0 = arith.constant 0 : i32
    %c0_i32_1 = arith.constant 0 : i32
    return %c0_i32, %c0_i32_0 : i32, i32
  }
  func.func @transform_5(%arg0: i32) -> (i32, i32, i32) {
    %c0_i32 = arith.constant 0 : i32
    %c0_i32_0 = arith.constant 0 : i32
    %c0_i32_1 = arith.constant 0 : i32
    return %c0_i32, %arg0, %c0_i32_0 : i32, i32, i32
  }
}

module attributes {stable_mosaic.version = 14 : i64} {
  func.func @_final_body(%arg0: i32, %arg1: memref<2x512x32xf32, #tpu.memory_space<vmem>>, %arg2: memref<16x512xf32, #tpu.memory_space<vmem>>, %arg3: memref<64xf32, #tpu.memory_space<vmem>>, %arg4: memref<512x64xf32, #tpu.memory_space<vmem>>) attributes {dimension_semantics = [#tpu.dimension_semantics<arbitrary>], iteration_bounds = array<i64: 20>, scalar_prefetch = 0 : i64, scratch_operands = 0 : i64, tpu.core_type = #tpu.core_type<tc>, window_params = [{transform_indices = @transform_0, window_bounds = array<i64: 2, 512, 32>}, {transform_indices = @transform_1, window_bounds = array<i64: 16, 512>}, {pipeline_mode = #tpu.pipeline_mode<synchronous>, transform_indices = @transform_2, window_bounds = array<i64: 64>}, {transform_indices = @transform_3, window_bounds = array<i64: 512, 64>}]} {
    %get3A = arith.constant 0 : index
    %get3A_0 = arith.constant 0 : index
    %get3A_1 = vector.load %arg2[%get3A, %get3A_0] : memref<16x512xf32, #tpu.memory_space<vmem>>, vector<16x512xf32>
    %reduce_sum3A = arith.constant dense<0.000000e+00> : vector<512xf32>
    %reduce_sum3A_2 = vector.multi_reduction <add>, %get3A_1, %reduce_sum3A [0] : vector<16x512xf32> to vector<512xf32>
    %max3A = arith.constant 1.000000e+00 : f32
    %max3A_3 = vector.broadcast %max3A : f32 to vector<512xf32>
    %max3A_4 = arith.maximumf %reduce_sum3A_2, %max3A_3 : vector<512xf32>
    %rsqrt3A = math.rsqrt %max3A_4 : vector<512xf32>
    %get3A_5 = arith.constant 0 : index
    %get3A_6 = arith.constant 0 : index
    %get3A_7 = arith.constant 0 : index
    %get3A_8 = vector.load %arg1[%get3A_5, %get3A_6, %get3A_7] : memref<2x512x32xf32, #tpu.memory_space<vmem>>, vector<1x512x32xf32>
    %get3A_9 = vector.shape_cast %get3A_8 : vector<1x512x32xf32> to vector<512x32xf32>
    %get3A_10 = arith.constant 1 : index
    %get3A_11 = arith.constant 0 : index
    %get3A_12 = arith.constant 0 : index
    %get3A_13 = vector.load %arg1[%get3A_10, %get3A_11, %get3A_12] : memref<2x512x32xf32, #tpu.memory_space<vmem>>, vector<1x512x32xf32>
    %get3A_14 = vector.shape_cast %get3A_13 : vector<1x512x32xf32> to vector<512x32xf32>
    %concatenate3A = tpu.concatenate %get3A_9, %get3A_14 in 1 : vector<512x32xf32>, vector<512x32xf32> -> vector<512x64xf32>
    %broadcast_in_dim3A = vector.shape_cast %rsqrt3A : vector<512xf32> to vector<512x1xf32>
    %mul3A = vector.broadcast %broadcast_in_dim3A : vector<512x1xf32> to vector<512x64xf32>
    %mul3A_15 = arith.mulf %mul3A, %concatenate3A : vector<512x64xf32>
    %get3A_16 = arith.constant 0 : index
    %get3A_17 = vector.load %arg3[%get3A_16] : memref<64xf32, #tpu.memory_space<vmem>>, vector<64xf32>
    %broadcast_in_dim3A_18 = vector.shape_cast %get3A_17 : vector<64xf32> to vector<1x64xf32>
    %add3A = vector.broadcast %broadcast_in_dim3A_18 : vector<1x64xf32> to vector<512x64xf32>
    %add3A_19 = arith.addf %mul3A_15, %add3A : vector<512x64xf32>
    %swap3A = arith.constant 0 : index
    %swap3A_20 = arith.constant 0 : index
    %swap3A_21 = vector.load %arg4[%swap3A, %swap3A_20] : memref<512x64xf32, #tpu.memory_space<vmem>>, vector<512x64xf32>
    tpu.vector_store %arg4[%swap3A, %swap3A_20], %add3A_19 {strides = array<i32>} : memref<512x64xf32, #tpu.memory_space<vmem>>, vector<512x64xf32>,
    return
  }
  func.func @transform_0(%arg0: i32) -> (i32, i32, i32) {
    %c0_i32 = arith.constant 0 : i32
    %c0_i32_0 = arith.constant 0 : i32
    %c0_i32_1 = arith.constant 0 : i32
    return %c0_i32, %arg0, %c0_i32_0 : i32, i32, i32
  }
  func.func @transform_1(%arg0: i32) -> (i32, i32) {
    %c0_i32 = arith.constant 0 : i32
    %c0_i32_0 = arith.constant 0 : i32
    return %c0_i32, %arg0 : i32, i32
  }
  func.func @transform_2(%arg0: i32) -> i32 {
    %c0_i32 = arith.constant 0 : i32
    %c0_i32_0 = arith.constant 0 : i32
    return %c0_i32 : i32
  }
  func.func @transform_3(%arg0: i32) -> (i32, i32) {
    %c0_i32 = arith.constant 0 : i32
    %c0_i32_0 = arith.constant 0 : i32
    return %arg0, %c0_i32 : i32, i32
  }
}

</mosaic_0001>

<sc_bundles>
// kernel: kernel.10.cloned.1.call-start
scs
__scs_entry_jumppad:
0x0: {  	(pc) =	sbr.rel $0x88, $3  }
0x1: {  	(tag) =	ssettag $0x0;
	lr =	simm.s32 $0x1  }
0x2: {  	[smem:$0x3F99] =	sst lr;
	_ =	strace $0xD0000000  }
0x3: {  	_ = 	snop  }
0x4: {  	_ = 	snop  }
0x5: {  	_ = 	snop  }
0x6: {  	_ = 	snop  }
0x7: {  	_ = 	snop  }
__scs_overlays_trampoline_lowered:
0x8: {  	[smem:$0x3FA8] =	sst s0  }
0x9: {  	[smem:$0x3FA9] =	sst s1  }
0xa: {  	[smem:$0x3FAA] =	sst s2  }
0xb: {  	[smem:$0x3FAB] =	sst s3  }
0xc: {  	[smem:$0x3FAC] =	sst s4  }
0xd: {  	[smem:$0x3FAD] =	sst s5  }
0xe: {  	[smem:$0x3FAE] =	sst s6  }
0xf: {  	[smem:$0x3FAF] =	sst s7  }
0x10: {  	[smem:$0x3FB0] =	sst s8  }
0x11: {  	[smem:$0x3FB1] =	sst s9;
	s0 =	simm.s32 @!p0 $0x0  }
0x12: {  	s1 =	sld [smem:$0x3F97];
	s0 =	simm.s32 @p0 $0x1  }
0x13: {  	[smem:$0x3FB2] =	sst s0;
	s0 =	simm.s32 @!p1 $0x0  }
0x14: {  	s2 =	sld [smem:$0x3F96];
	s0 =	simm.s32 @p1 $0x1  }
0x15: {  	[smem:$0x3FB3] =	sst s0;
	s0 =	simm.s32 @!p2 $0x0  }
0x16: {  	s3 =	sld [smem:$0x3FDB];
	s0 =	simm.s32 @p2 $0x1  }
0x17: {  	s4 =	simm.s32 $0x1BF5;
	[smem:$0x3FB5] =	sst s0  }
0x18: {  	s0 =	sld [smem:$0x3F98];
	_ =	swait.ge [sflag:s4], $0x0  }
0x19: {  	s7 =	sld [smem:$0x3F99]  }
0x1a: {  	s8 =	sadd.s32 $0xFFFFE003, lr  }
0x1b: {  	s9 =	sadd.s32 $0xFFFFFEF7, lr;
	s5 =	simm.s32 $0xFFFFFFFF;
	p2 =	slt.u32 s8, $0xFFFFF086  }
0x1c: {  	p1 =	slt.u32 s9, $0xF7A;
	s5 =	simm.s32 @!p2 $0x0  }
0x1d: {  	s5 =	simm.s32 @p1 $0x1;
	p0 =	seq.s32 s7, s2  }
0x1e: {  	s7 =	smul.u32 @!p0 $0xF7A, s2;
	p2 =	seq.s32 @!p0 s5, $0x0  }
0x1f: {  	s9 =	smul.u32 $0xF7A, s1;
	s8 =	simm.s32 @!p0 $0x1BF5;
	p2 =	por !p2, p0  }
0x20: {  	[sflag:s8] =	ssyncset.s32 @!p0 $0xFFFFF086;
	s6 =	sadd.s32 @!p0 s3, s7;
	s7 =	simm.s32 @!p0 $0x108  }
0x21: {  	s3 =	sadd.s32 s3, s9;
	s6 =	sadd.s32 @!p0 $0x88, s6;
	s7 =	simm.s32 @p2 $0x1082  }
0x22: {  	[simem:s7], [sflag:s8] =	dma.local @!p0 [hbm:s6], $0xF7A  }
0x23: {  	s9 =	sor.u32 $0xD0000000, s2;
	s6 =	simm.s32 $0x108;
	_ =	swait.ge @!p0 [sflag:s8], $0x0  }
0x24: {  	s3 =	sadd.s32 $0x88, s3;
	s6 =	simm.s32 @!p1 $0x1082;
	[sflag:s4] =	ssyncset.s32 $0xFFFFF086  }
0x25: {  	[simem:s6], [sflag:s4] =	dma.local [hbm:s3], $0xF7A  }
0x26: {  	[smem:$0x3F99] =	sst s1;
	(tag) =	ssettag s2;
	_ =	strace s9  }
0x27: {  	s1 =	sld [smem:$0x3FA9]  }
0x28: {  	s2 =	sld [smem:$0x3FAA]  }
0x29: {  	s4 =	sld [smem:$0x3FAC]  }
0x2a: {  	p0 =	seq.s32 s5, $0x0;
	s5 =	sld [smem:$0x3FAD]  }
0x2b: {  	s6 =	sld [smem:$0x3FAE]  }
0x2c: {  	s7 =	sld [smem:$0x3FAF]  }
0x2d: {  	s3 =	simm.s32 $0x108;
	s8 =	sld [smem:$0x3FB0]  }
0x2e: {  	s3 =	simm.s32 @!p0 $0x1082;
	s9 =	sld [smem:$0x3FB1]  }
0x2f: {  	lr =	sadd.s32 s0, s3;
	s0 =	sld [smem:$0x3FA8]  }
0x30: {  	s3 =	sld [smem:$0x3FAB]  }
0x31: {  	[smem:$0x3FB4] =	sst s10  }
0x32: {  	s10 =	sld [smem:$0x3FB2];
	_ =	sdelay $0x3  }
0x33: {  	p0 =	seq.s32 s10, $0x1;
	s10 =	sld [smem:$0x3FB4];
	_ =	sdelay $0x3  }
0x34: {  	[smem:$0x3FB4] =	sst s10  }
0x35: {  	s10 =	sld [smem:$0x3FB3];
	_ =	sdelay $0x3  }
0x36: {  	p1 =	seq.s32 s10, $0x1;
	s10 =	sld [smem:$0x3FB4];
	_ =	sdelay $0x3  }
0x37: {  	[smem:$0x3FB4] =	sst s10  }
0x38: {  	s10 =	sld [smem:$0x3FB5]  }
0x39: {  	_ = 	snop;
	(pc) =	sbr.ind lr, $3  }
0x3a: {  	_ = 	snop  }
0x3b: {  	_ = 	snop  }
0x3c: {  	p2 =	seq.s32 s10, $0x1;
	s10 =	sld [smem:$0x3FB4]  }
0x3d: {  	_ =	shalt  }
0x3e: {  	_ =	shalt  }
0x3f: {  	_ =	shalt  }
0x40: {  	_ =	shalt  }
0x41: {  	_ =	shalt  }
0x42: {  	_ =	shalt  }
0x43: {  	_ =	shalt  }
0x44: {  	_ =	shalt  }
0x45: {  	_ =	shalt  }
0x46: {  	_ =	shalt  }
0x47: {  	_ =	shalt  }
0x48: {  	_ =	shalt  }
0x49: {  	_ =	shalt  }
0x4a: {  	_ =	shalt  }
0x4b: {  	_ =	shalt  }
0x4c: {  	_ =	shalt  }
0x4d: {  	_ =	shalt  }
0x4e: {  	_ =	shalt  }
0x4f: {  	_ =	shalt  }
0x50: {  	_ =	shalt  }
0x51: {  	_ =	shalt  }
0x52: {  	_ =	shalt  }
0x53: {  	_ =	shalt  }
0x54: {  	_ =	shalt  }
0x55: {  	_ =	shalt  }
0x56: {  	_ =	shalt  }
0x57: {  	_ =	shalt  }
0x58: {  	_ =	shalt  }
0x59: {  	_ =	shalt  }
0x5a: {  	_ =	shalt  }
0x5b: {  	_ =	shalt  }
0x5c: {  	_ =	shalt  }
0x5d: {  	_ =	shalt  }
0x5e: {  	_ =	shalt  }
0x5f: {  	_ =	shalt  }
0x60: {  	_ =	shalt  }
0x61: {  	_ =	shalt  }
0x62: {  	_ =	shalt  }
0x63: {  	_ =	shalt  }
0x64: {  	_ =	shalt  }
0x65: {  	_ =	shalt  }
0x66: {  	_ =	shalt  }
0x67: {  	_ =	shalt  }
0x68: {  	_ =	shalt  }
0x69: {  	_ =	shalt  }
0x6a: {  	_ =	shalt  }
0x6b: {  	_ =	shalt  }
0x6c: {  	_ =	shalt  }
0x6d: {  	_ =	shalt  }
0x6e: {  	_ =	shalt  }
0x6f: {  	_ =	shalt  }
0x70: {  	_ =	shalt  }
0x71: {  	_ =	shalt  }
0x72: {  	_ =	shalt  }
0x73: {  	_ =	shalt  }
0x74: {  	_ =	shalt  }
0x75: {  	_ =	shalt  }
0x76: {  	_ =	shalt  }
0x77: {  	_ =	shalt  }
0x78: {  	_ =	shalt  }
0x79: {  	_ =	shalt  }
0x7a: {  	_ =	shalt  }
0x7b: {  	_ =	shalt  }
0x7c: {  	_ =	shalt  }
0x7d: {  	_ =	shalt  }
0x7e: {  	_ =	shalt  }
0x7f: {  	_ =	shalt  }
0x80: {  	_ =	shalt  }
0x81: {  	_ =	shalt  }
0x82: {  	_ =	shalt  }
0x83: {  	_ =	shalt  }
0x84: {  	_ =	shalt  }
0x85: {  	_ =	shalt  }
0x86: {  	_ =	shalt  }
0x87: {  	_ =	shalt  }
.Lfunc_end0:
.L_simem_size_0:
called_computation_lowered:
.L_overlay_start_0:
0x88: {  	s2 =	sld [smem:$0x3FD9]  }
0x89: {  	s3 =	sld [smem:$0x3FFE];
	_ =	sdelay $0x1  }
0x8a: {  	s1 =	srdreg.scid  }
0x8b: {  	s0 =	sand.u32 $0x1, s1  }
0x8c: {  	s16 =	sshll.u32 s0, $0xA;
	s2 =	sadd.s32 s3, s2  }
0x8d: {  	s2 =	sadd.s32 s2, s16  }
0x8e: {  	[smem:$0x3FC0] =	sst s2  }
0x8f: {  	_ = 	snop  }
0x90: {  	(tm) =	ssettm $0x1  }
0x91: {  	s17 =	sld [smem:$0x3FFB];
	_ =	sdelay $0x3  }
0x92: {  	_ =	strace s17  }
0x93: {  	s2 =	sld [smem:$0x3FFC];
	_ =	sdelay $0x3  }
0x94: {  	_ =	strace s2  }
0x95: {  	s2 =	sld [smem:$0x3FFD];
	_ =	sdelay $0x3  }
0x96: {  	_ =	strace s2  }
0x97: {  	_ =	strace $0x8FFFFFFF  }
0x98: {  	s18 =	sld [smem:$0x3FDB];
	_ =	sdelay $0x1  }
0x99: {  	s19 =	simm.s32 $_scs_section_size  }
0x9a: {  	s4 =	simm.s32 $_size__tile_overlayer_lowered;
	s5 =	simm.s32 $_tile_overlayer_lowered  }
0x9b: {  	s22 =	simm.s32 $0x1BFF;
	s21 =	sshll.u32 s5, $0x1;
	s2 =	sadd.s32 s19, s18  }
0x9c: {  	s6 =	simm.s32 $0x0;
	s20 =	sshll.u32 s4, $0x1;
	s4 =	sadd.s32 s21, s2  }
0x9d: {  	[timem:s6], [sflag:s22] =	dma.local [hbm:s4], s20  }
0x9e: {  	_ =	swait.ge [sflag:s22], s20  }
0x9f: {  	s3 =	ssub.s32 $0x0, s20;
	[sflag:s22] =	ssyncset.done $0x0  }
0xa0: {  	[sflag:s22] =	ssyncadd.s32 s3;
	_ =	sdelay $0x1  }
0xa1: {  	s23 =	simm.s32 $0x1B8B  }
0xa2: {  	_ =	swait.ge [sflag:s23], $0x1  }
0xa3: {  	[sflag:s23] =	ssyncset.done $0x0  }
0xa4: {  	s25 =	simm.s32 $0x1B8E;
	s24 =	sld [smem:$0x3FFE];
	[sflag:s23] =	ssyncadd.s32 $0xFFFFFFFF  }
0xa5: {  	s26 =	simm.s32 $execute0_lowered;
	[smem:$0x3FD2] =	sst s25  }
0xa6: {  	s4 =	sshll.u32 s26, $0x1;
	_ =	strace $0x80000046;
	[dreg:$0x1] =	wrdreg $0xFFFFFFFF  }
0xa7: {  	s28 =	simm.s32 $_size_execute0_lowered;
	s2 =	sadd.s32 s2, s4;
	[dreg:$0x0] =	wrdreg $0x0  }
0xa8: {  	s4 =	sshll.u32 s28, $0x1;
	[dreg:$0x2] =	wrdreg s2  }
0xa9: {  	[dreg:$0x3] =	wrdreg s4  }
0xaa: {  	[dreg:$0x4] =	wrdreg $0xC0  }
0xab: {  	_ =	task [dreg:s6], $0x5FFFF  }
0xac: {  	[dreg:$0x1] =	wrdreg $0xFFFFFFFF  }
0xad: {  	[dreg:$0x0] =	wrdreg $0x60  }
0xae: {  	[dreg:$0x2] =	wrdreg s24  }
0xaf: {  	[dreg:$0x3] =	wrdreg $0x9  }
0xb0: {  	_ =	task.clear_ibuf [dreg:s6], $0x4FFFF;
	_ =	strace $0x90000046  }
0xb1: {  	s29 =	simm.s32 $0x9;
	_ =	strace $0x80000048  }
0xb2: {  	_ =	swait.ge [sflag:s29], $0x1  }
0xb3: {  	[sflag:s29] =	ssyncadd.s32 $0xFFFFFFFF  }
0xb4: {  	_ =	strace $0x90000048  }
0xb5: {  	_ =	sfence  }
0xb6: {  	s30 =	sld [smem:$0x0];
	_ =	sdelay $0x2  }
0xb7: {  	s31 =	sshll.u32 s1, $0xD;
	s1 =	sshrl.u32 s1, $0x2  }
0xb8: {  	s3 =	sand.u32 $0x4000, s31;
	s1 =	sadd.s32 s1, s30  }
0xb9: {  	s0 =	sor.u32 s3, s0;
	s1 =	sshll.u32 s1, $0x11  }
0xba: {  	s0 =	sor.u32 s1, s0  }
0xbb: {  	s0 =	sadd.s32 $0x8F2B, s0  }
0xbc: {  	[sflag:s0] =	ssyncadd.remote.s32 $0x1  }
0xbd: {  	_ =	sfence.sel $0xFFFF  }
0xbe: {  	[dreg:$0x0] =	wrdreg $0xFFFFFFFF;
	(pc) =	sbr.abs _section_cstart, $3  }
0xbf: {  	[dreg:$0x1] =	wrdreg $0xFFFFFFFF  }
0xc0: {  	_ =	task.clear_ibuf [dreg:s6], $0x2FFFF;
	_ =	strace $0x9FFFFFFF  }
0xc1: {  	(tm) =	ssettm $0x7FFFFFFF  }
tec
execute0_lowered:
.L_overlay_start_1:
0x0: {  	(tag) =	ssettag $0x1  }
0x1: {  	s0 =	srdreg.scid  }
0x2: {  	s3 =	sand.u32 $0x1, s0  }
0x3: {  	s0 =	stileid.u32;
	s4 =	smul.u32 $0x27100, s3  }
0x4: {  	s5 =	rddreg [dreg:$0x0];
	s6 =	smul.u32 $0x2710, s0  }
0x5: {  	s1 =	rddreg [dreg:$0x1];
	s2 =	simm.s32 $0x0;
	s7 =	smul.u32 $0x28000, s3  }
0x6: {  	[smem:$0x7FF] =	sst s2;
	s8 =	smul.u32 $0x2800, s0;
	s3 =	ssub.s32 $0x2, s3  }
0x7: {  	_ =	strace $0x80000047;
	s30 =	sshrl.u32 s3, $0x1;
	s4 =	sadd.s32 s6, s4  }
0x8: {  	s29 =	sadd.s32 s8, s7;
	s31 =	ssub.s32 s3, s30;
	s7 =	simm.s32 $0x2710  }
0x9: {  	s8 =	simm.s32 $0x0;
	s4 =	sshrl.u32 s4, $0x3;
	s6 =	sshrl.u32 s29, $0x3  }
0xa: {  	s4 =	sadd.s32 s4, s5;
	s5 =	sadd.s32 s6, s5;
	s6 =	simm.s32 $0x1  }
0xb: {  	v0 =	vimm.f32 $0.0e+00;
	v1 =	vimm.f32 $1.000000000e+00;
	s3 =	sadd.s32 $0x3400, s4;
	s4 =	sadd.s32 $0xD200, s5;
	s5 =	smax.u32 s31, $0x1  }
.LBB2_1:
0xc: {  	[tilespmem:s2], [sflag:$0x1] =	stream.linear.gather [hbm4b:s3+s2], $0x2710, $0x38;
	[tilespmem:$0x4F10] =	vst v63  }
0xd: {  	_ =	swait.ge [sflag:s6], $0x2710  }
0xe: {  	[sflag:s6] =	ssyncset.done $0x0  }
0xf: {  	s9 =	simm.s32 $0x0;
	[sflag:s6] =	ssyncadd.s32 $0xFFFFD8F0  }
.LBB2_2:
0x10: {  	p0 =	sne.s32 s9, $0x9FC0  }
.Ltmp0:
0x11: {  	_ = 	snop;
	(pc) =	sbr.rel @p0 .LBB2_2-.Ltmp0, $3  }
0x12: {  	_ =	sdelay $0x1  }
0x13: {  	s10 =	sshra.s32 s9, $0x2  }
0x14: {  	s9 =	sadd.s32 $0x40, s9;
	[tilespmem:s10+$0x2710] =	vst v0  }
0x15: {  	s10 =	simm.s32 $0x0;
	s9 =	simm.s32 $0x40  }
.LBB2_4:
0x16: {  	p0 =	sne.s32 s9, $0x9C00;
	v2 =	vld [tilespmem:s10+$0x0];
	_ =	sdelay $0x3  }
.Ltmp1:
0x17: {  	(pc) =	sbr.rel @p0 .LBB2_4-.Ltmp1, $2  }
0x18: {  	_ =	sdelay $0x2  }
0x19: {  	s10 =	sshra.s32 s9, $0x2;
	s9 =	sadd.s32 $0x40, s9;
	[tilespmem:v2+s7+$0x0] =	vst.idx.add.f32.msk $0xffff, v1  }
0x1a: {  	v2 =	vld [tilespmem:s10+$0x0];
	_ =	sdelay $0x5  }
0x1b: {  	s8 =	sadd.s32 $0x1, s8  }
0x1c: {  	p0 =	sne.s32 s8, s5  }
.Ltmp2:
0x1d: {  	[tilespmem:v2+s7+$0x0] =	vst.idx.add.f32.msk $0xffff, v1;
	(pc) =	sbr.rel @p0 .LBB2_1-.Ltmp2, $4  }
0x1e: {  	[hbm4b:s4+s2] =	stream.linear.scatter [tilespmem:s7], [sflag:$0x1], $0x2800, $0x38;
	[tilespmem:$0x4F10] =	vst v63  }
0x1f: {  	_ =	swait.ge [sflag:s6], $0x2800  }
0x20: {  	[sflag:s6] =	ssyncset.done $0x0  }
0x21: {  	[sflag:s6] =	ssyncadd.s32 $0xFFFFD800  }
0x22: {  	_ =	sfence.sel $0x180000  }
0x23: {  	[bflag:$0x0] =	sbarrier.arrive $0xFFFF  }
0x24: {  	p0 =	sne.s32 s0, $0x0;
	_ =	strace $0x90000047  }
0x25: {  	s0 =	sadd.s32 @!p0 $0x100000, s1;
	[bflag:$0x2] =	sbarrier.arrive $0xFFFF  }
0x26: {  	[sflag:s0] =	ssyncadd.tile.s32 @!p0 $0x1;
	_ =	shalt  }
.Lfunc_end2:
_tile_overlayer_lowered:
.L_overlay_start_2:
0x27: {  	(tag) =	ssettag $0x2  }
0x28: {  	s0 =	rddreg [dreg:$0x0];
	s2 =	stileid.u32  }
0x29: {  	s1 =	rddreg [dreg:$0x1];
	p0 =	sne.s32 s2, $0x0  }
0x2a: {  	s3 =	rddreg [dreg:$0x2];
	[bflag:$0x3] =	sbarrier.arrive $0xFFFF;
	s2 =	simm.s32 @!p0 $0x1C01  }
0x2b: {  	[timem:s3], [sflag:s2] =	dma.local @!p0 [hbm:s0], s1  }
0x2c: {  	s0 =	simm.s32 @!p0 $0x1  }
0x2d: {  	_ =	swait.ge @!p0 [sflag:s0], s1  }
0x2e: {  	s1 =	ssub.s32 @!p0 $0x0, s1;
	[sflag:s0] =	ssyncset.done @!p0 $0x0  }
0x2f: {  	[sflag:s0] =	ssyncadd.s32 @!p0 s1  }
0x30: {  	[bflag:$0x3] =	sbarrier.arrive $0xFFFF  }
0x31: {  	_ =	shalt  }

// kernel: kernel.13.cloned.1.call-start
scs
__scs_entry_jumppad:
0x0: {  	(pc) =	sbr.rel $0x88, $3  }
0x1: {  	(tag) =	ssettag $0x0;
	lr =	simm.s32 $0x1  }
0x2: {  	[smem:$0x3F99] =	sst lr;
	_ =	strace $0xD0000000  }
0x3: {  	_ = 	snop  }
0x4: {  	_ = 	snop  }
0x5: {  	_ = 	snop  }
0x6: {  	_ = 	snop  }
0x7: {  	_ = 	snop  }
__scs_overlays_trampoline_lowered:
0x8: {  	[smem:$0x3FA8] =	sst s0  }
0x9: {  	[smem:$0x3FA9] =	sst s1  }
0xa: {  	[smem:$0x3FAA] =	sst s2  }
0xb: {  	[smem:$0x3FAB] =	sst s3  }
0xc: {  	[smem:$0x3FAC] =	sst s4  }
0xd: {  	[smem:$0x3FAD] =	sst s5  }
0xe: {  	[smem:$0x3FAE] =	sst s6  }
0xf: {  	[smem:$0x3FAF] =	sst s7  }
0x10: {  	[smem:$0x3FB0] =	sst s8  }
0x11: {  	[smem:$0x3FB1] =	sst s9;
	s0 =	simm.s32 @!p0 $0x0  }
0x12: {  	s1 =	sld [smem:$0x3F97];
	s0 =	simm.s32 @p0 $0x1  }
0x13: {  	[smem:$0x3FB2] =	sst s0;
	s0 =	simm.s32 @!p1 $0x0  }
0x14: {  	s2 =	sld [smem:$0x3F96];
	s0 =	simm.s32 @p1 $0x1  }
0x15: {  	[smem:$0x3FB3] =	sst s0;
	s0 =	simm.s32 @!p2 $0x0  }
0x16: {  	s3 =	sld [smem:$0x3FDB];
	s0 =	simm.s32 @p2 $0x1  }
0x17: {  	s4 =	simm.s32 $0x1BF5;
	[smem:$0x3FB5] =	sst s0  }
0x18: {  	s0 =	sld [smem:$0x3F98];
	_ =	swait.ge [sflag:s4], $0x0  }
0x19: {  	s7 =	sld [smem:$0x3F99]  }
0x1a: {  	s8 =	sadd.s32 $0xFFFFE003, lr  }
0x1b: {  	s9 =	sadd.s32 $0xFFFFFEF7, lr;
	s5 =	simm.s32 $0xFFFFFFFF;
	p2 =	slt.u32 s8, $0xFFFFF086  }
0x1c: {  	p1 =	slt.u32 s9, $0xF7A;
	s5 =	simm.s32 @!p2 $0x0  }
0x1d: {  	s5 =	simm.s32 @p1 $0x1;
	p0 =	seq.s32 s7, s2  }
0x1e: {  	s7 =	smul.u32 @!p0 $0xF7A, s2;
	p2 =	seq.s32 @!p0 s5, $0x0  }
0x1f: {  	s9 =	smul.u32 $0xF7A, s1;
	s8 =	simm.s32 @!p0 $0x1BF5;
	p2 =	por !p2, p0  }
0x20: {  	[sflag:s8] =	ssyncset.s32 @!p0 $0xFFFFF086;
	s6 =	sadd.s32 @!p0 s3, s7;
	s7 =	simm.s32 @!p0 $0x108  }
0x21: {  	s3 =	sadd.s32 s3, s9;
	s6 =	sadd.s32 @!p0 $0x88, s6;
	s7 =	simm.s32 @p2 $0x1082  }
0x22: {  	[simem:s7], [sflag:s8] =	dma.local @!p0 [hbm:s6], $0xF7A  }
0x23: {  	s9 =	sor.u32 $0xD0000000, s2;
	s6 =	simm.s32 $0x108;
	_ =	swait.ge @!p0 [sflag:s8], $0x0  }
0x24: {  	s3 =	sadd.s32 $0x88, s3;
	s6 =	simm.s32 @!p1 $0x1082;
	[sflag:s4] =	ssyncset.s32 $0xFFFFF086  }
0x25: {  	[simem:s6], [sflag:s4] =	dma.local [hbm:s3], $0xF7A  }
0x26: {  	[smem:$0x3F99] =	sst s1;
	(tag) =	ssettag s2;
	_ =	strace s9  }
0x27: {  	s1 =	sld [smem:$0x3FA9]  }
0x28: {  	s2 =	sld [smem:$0x3FAA]  }
0x29: {  	s4 =	sld [smem:$0x3FAC]  }
0x2a: {  	p0 =	seq.s32 s5, $0x0;
	s5 =	sld [smem:$0x3FAD]  }
0x2b: {  	s6 =	sld [smem:$0x3FAE]  }
0x2c: {  	s7 =	sld [smem:$0x3FAF]  }
0x2d: {  	s3 =	simm.s32 $0x108;
	s8 =	sld [smem:$0x3FB0]  }
0x2e: {  	s3 =	simm.s32 @!p0 $0x1082;
	s9 =	sld [smem:$0x3FB1]  }
0x2f: {  	lr =	sadd.s32 s0, s3;
	s0 =	sld [smem:$0x3FA8]  }
0x30: {  	s3 =	sld [smem:$0x3FAB]  }
0x31: {  	[smem:$0x3FB4] =	sst s10  }
0x32: {  	s10 =	sld [smem:$0x3FB2];
	_ =	sdelay $0x3  }
0x33: {  	p0 =	seq.s32 s10, $0x1;
	s10 =	sld [smem:$0x3FB4];
	_ =	sdelay $0x3  }
0x34: {  	[smem:$0x3FB4] =	sst s10  }
0x35: {  	s10 =	sld [smem:$0x3FB3];
	_ =	sdelay $0x3  }
0x36: {  	p1 =	seq.s32 s10, $0x1;
	s10 =	sld [smem:$0x3FB4];
	_ =	sdelay $0x3  }
0x37: {  	[smem:$0x3FB4] =	sst s10  }
0x38: {  	s10 =	sld [smem:$0x3FB5]  }
0x39: {  	_ = 	snop;
	(pc) =	sbr.ind lr, $3  }
0x3a: {  	_ = 	snop  }
0x3b: {  	_ = 	snop  }
0x3c: {  	p2 =	seq.s32 s10, $0x1;
	s10 =	sld [smem:$0x3FB4]  }
0x3d: {  	_ =	shalt  }
0x3e: {  	_ =	shalt  }
0x3f: {  	_ =	shalt  }
0x40: {  	_ =	shalt  }
0x41: {  	_ =	shalt  }
0x42: {  	_ =	shalt  }
0x43: {  	_ =	shalt  }
0x44: {  	_ =	shalt  }
0x45: {  	_ =	shalt  }
0x46: {  	_ =	shalt  }
0x47: {  	_ =	shalt  }
0x48: {  	_ =	shalt  }
0x49: {  	_ =	shalt  }
0x4a: {  	_ =	shalt  }
0x4b: {  	_ =	shalt  }
0x4c: {  	_ =	shalt  }
0x4d: {  	_ =	shalt  }
0x4e: {  	_ =	shalt  }
0x4f: {  	_ =	shalt  }
0x50: {  	_ =	shalt  }
0x51: {  	_ =	shalt  }
0x52: {  	_ =	shalt  }
0x53: {  	_ =	shalt  }
0x54: {  	_ =	shalt  }
0x55: {  	_ =	shalt  }
0x56: {  	_ =	shalt  }
0x57: {  	_ =	shalt  }
0x58: {  	_ =	shalt  }
0x59: {  	_ =	shalt  }
0x5a: {  	_ =	shalt  }
0x5b: {  	_ =	shalt  }
0x5c: {  	_ =	shalt  }
0x5d: {  	_ =	shalt  }
0x5e: {  	_ =	shalt  }
0x5f: {  	_ =	shalt  }
0x60: {  	_ =	shalt  }
0x61: {  	_ =	shalt  }
0x62: {  	_ =	shalt  }
0x63: {  	_ =	shalt  }
0x64: {  	_ =	shalt  }
0x65: {  	_ =	shalt  }
0x66: {  	_ =	shalt  }
0x67: {  	_ =	shalt  }
0x68: {  	_ =	shalt  }
0x69: {  	_ =	shalt  }
0x6a: {  	_ =	shalt  }
0x6b: {  	_ =	shalt  }
0x6c: {  	_ =	shalt  }
0x6d: {  	_ =	shalt  }
0x6e: {  	_ =	shalt  }
0x6f: {  	_ =	shalt  }
0x70: {  	_ =	shalt  }
0x71: {  	_ =	shalt  }
0x72: {  	_ =	shalt  }
0x73: {  	_ =	shalt  }
0x74: {  	_ =	shalt  }
0x75: {  	_ =	shalt  }
0x76: {  	_ =	shalt  }
0x77: {  	_ =	shalt  }
0x78: {  	_ =	shalt  }
0x79: {  	_ =	shalt  }
0x7a: {  	_ =	shalt  }
0x7b: {  	_ =	shalt  }
0x7c: {  	_ =	shalt  }
0x7d: {  	_ =	shalt  }
0x7e: {  	_ =	shalt  }
0x7f: {  	_ =	shalt  }
0x80: {  	_ =	shalt  }
0x81: {  	_ =	shalt  }
0x82: {  	_ =	shalt  }
0x83: {  	_ =	shalt  }
0x84: {  	_ =	shalt  }
0x85: {  	_ =	shalt  }
0x86: {  	_ =	shalt  }
0x87: {  	_ =	shalt  }
.Lfunc_end0:
.L_simem_size_0:
called_computation.1_lowered:
.L_overlay_start_0:
0x88: {  	s2 =	sld [smem:$0x3FD9]  }
0x89: {  	s3 =	sld [smem:$0x3FFE];
	_ =	sdelay $0x1  }
0x8a: {  	s1 =	srdreg.scid  }
0x8b: {  	s0 =	sand.u32 $0x1, s1  }
0x8c: {  	s17 =	sshll.u32 s0, $0xA;
	s2 =	sadd.s32 s3, s2  }
0x8d: {  	s2 =	sadd.s32 s2, s17  }
0x8e: {  	[smem:$0x3FC0] =	sst s2  }
0x8f: {  	_ = 	snop  }
0x90: {  	s2 =	sld [smem:$0x3FD0];
	(tm) =	ssettm $0x1  }
0x91: {  	s18 =	sld [smem:$0x3FFB];
	_ =	sdelay $0x3  }
0x92: {  	_ =	strace s18  }
0x93: {  	s3 =	sld [smem:$0x3FFC];
	_ =	sdelay $0x3  }
0x94: {  	_ =	strace s3  }
0x95: {  	s3 =	sld [smem:$0x3FFD];
	_ =	sdelay $0x3  }
0x96: {  	_ =	strace s3  }
0x97: {  	_ =	strace $0x8FFFFFFF  }
0x98: {  	s19 =	sld [smem:$0x3FDB];
	_ =	sdelay $0x1  }
0x99: {  	s4 =	simm.s32 $_scs_section_size  }
0x9a: {  	s5 =	simm.s32 $_size__tile_overlayer_lowered;
	s6 =	simm.s32 $_tile_overlayer_lowered  }
0x9b: {  	s22 =	simm.s32 $0x1BFF;
	s21 =	sshll.u32 s6, $0x1;
	s3 =	sadd.s32 s4, s19  }
0x9c: {  	s7 =	simm.s32 $0x0;
	s20 =	sshll.u32 s5, $0x1;
	s5 =	sadd.s32 s21, s3  }
0x9d: {  	[timem:s7], [sflag:s22] =	dma.local [hbm:s5], s20  }
0x9e: {  	_ =	swait.ge [sflag:s22], s20  }
0x9f: {  	s4 =	ssub.s32 $0x0, s20;
	[sflag:s22] =	ssyncset.done $0x0  }
0xa0: {  	[sflag:s22] =	ssyncadd.s32 s4;
	_ =	sdelay $0x1  }
0xa1: {  	s23 =	simm.s32 $0x1B8B  }
0xa2: {  	_ =	swait.ge [sflag:s23], $0x1  }
0xa3: {  	[sflag:s23] =	ssyncset.done $0x0  }
0xa4: {  	s25 =	simm.s32 $0x1B8E;
	s24 =	sld [smem:$0x3FFE];
	[sflag:s23] =	ssyncadd.s32 $0xFFFFFFFF  }
0xa5: {  	s26 =	simm.s32 $execute0_lowered;
	[smem:$0x3FD2] =	sst s25  }
0xa6: {  	s5 =	sshll.u32 s26, $0x1;
	_ =	strace $0x80000049;
	[dreg:$0x1] =	wrdreg $0xFFFFFFFF  }
0xa7: {  	s28 =	simm.s32 $_size_execute0_lowered;
	s3 =	sadd.s32 s3, s5;
	[dreg:$0x0] =	wrdreg $0x0  }
0xa8: {  	s5 =	sshll.u32 s28, $0x1;
	[dreg:$0x2] =	wrdreg s3  }
0xa9: {  	[dreg:$0x3] =	wrdreg s5  }
0xaa: {  	[dreg:$0x4] =	wrdreg $0xC0  }
0xab: {  	_ =	task [dreg:s7], $0x5FFFF  }
0xac: {  	[dreg:$0x1] =	wrdreg $0xFFFFFFFF  }
0xad: {  	[dreg:$0x0] =	wrdreg $0x60  }
0xae: {  	[dreg:$0x2] =	wrdreg s24  }
0xaf: {  	[dreg:$0x3] =	wrdreg s2  }
0xb0: {  	[dreg:$0x4] =	wrdreg $0xB5400  }
0xb1: {  	[dreg:$0x5] =	wrdreg $0x9  }
0xb2: {  	_ =	task.clear_ibuf [dreg:s7], $0x6FFFF;
	_ =	strace $0x90000049  }
0xb3: {  	s29 =	simm.s32 $0x9;
	_ =	strace $0x8000004B  }
0xb4: {  	_ =	swait.ge [sflag:s29], $0x1  }
0xb5: {  	[sflag:s29] =	ssyncadd.s32 $0xFFFFFFFF  }
0xb6: {  	_ =	strace $0x9000004B  }
0xb7: {  	_ =	sfence  }
0xb8: {  	s30 =	sld [smem:$0x0];
	_ =	sdelay $0x2  }
0xb9: {  	s31 =	sshll.u32 s1, $0xD;
	s1 =	sshrl.u32 s1, $0x2  }
0xba: {  	s3 =	sand.u32 $0x4000, s31;
	s1 =	sadd.s32 s1, s30  }
0xbb: {  	s0 =	sor.u32 s3, s0;
	s1 =	sshll.u32 s1, $0x11  }
0xbc: {  	s0 =	sor.u32 s1, s0  }
0xbd: {  	s0 =	sadd.s32 $0x8F2B, s0  }
0xbe: {  	[sflag:s0] =	ssyncadd.remote.s32 $0x1  }
0xbf: {  	_ =	sfence.sel $0xFFFF  }
0xc0: {  	[dreg:$0x0] =	wrdreg $0xFFFFFFFF;
	(pc) =	sbr.abs _section_cstart, $3  }
0xc1: {  	[dreg:$0x1] =	wrdreg $0xFFFFFFFF  }
0xc2: {  	_ =	task.clear_ibuf [dreg:s7], $0x2FFFF;
	_ =	strace $0x9FFFFFFF  }
0xc3: {  	(tm) =	ssettm $0x7FFFFFFF  }
tec
execute0_lowered:
.L_overlay_start_1:
0x0: {  	(tag) =	ssettag $0x1  }
0x1: {  	s4 =	rddreg [dreg:$0x0]  }
0x2: {  	s5 =	rddreg [dreg:$0x1]  }
0x3: {  	s1 =	rddreg [dreg:$0x2]  }
0x4: {  	s2 =	srdreg.scid;
	s0 =	rddreg [dreg:$0x3];
	s3 =	simm.s32 $0x0  }
0x5: {  	s14 =	simm.s32 $0x64;
	s15 =	simm.s32 $0x5140;
	s16 =	simm.s32 $0x68  }
0x6: {  	s17 =	simm.s32 $0x8340;
	s18 =	simm.s32 $0x1;
	s19 =	simm.s32 $0x2  }
0x7: {  	s20 =	simm.s32 $0x5070;
	s6 =	sand.u32 $0x1, s2;
	s2 =	stileid.u32  }
0x8: {  	s21 =	simm.s32 $0x50D8;
	[smem:$0x7FF] =	sst s3;
	s7 =	smul.u32 $0x140000, s6  }
0x9: {  	s22 =	simm.s32 $0x0;
	s8 =	smul.u32 $0x13880, s2;
	_ =	strace $0x8000004A  }
0xa: {  	s11 =	smul.u32 $0x28A0, s2;
	s6 =	ssub.s32 $0x2, s6;
	s31 =	sshll.u32 s2, $0x6  }
0xb: {  	s29 =	sshrl.u32 s6, $0x1;
	s9 =	sshrl.u32 s7, $0x3;
	s10 =	sshrl.u32 s8, $0x3  }
0xc: {  	s7 =	sadd.s32 s8, s7;
	s11 =	sshrl.u32 s11, $0x3;
	s30 =	ssub.s32 s6, s29  }
0xd: {  	s13 =	sadd.s32 s8, s1;
	s9 =	sadd.s32 s9, s4;
	s7 =	sshrl.u32 s7, $0x3  }
0xe: {  	s10 =	sadd.s32 s10, s4;
	s13 =	sshrl.u32 s13, $0x3;
	s12 =	sadd.s32 s7, s4  }
0xf: {  	s4 =	sadd.s32 s5, s11;
	s6 =	sadd.s32 $0x53400, s10;
	s7 =	sadd.s32 $0x3400, s9  }
0x10: {  	s9 =	smax.u32 s30, $0x1;
	s10 =	simm.s32 $0x3;
	s11 =	simm.s32 $0x28A0  }
0x11: {  	s5 =	sadd.s32 $0x5140, s4;
	s8 =	sadd.s32 $0x7A600, s12;
	s12 =	sor.u32 $0x1C03, s31  }
.LBB2_1:
0x12: {  	[tilespmem:s3], [sflag:$0x3] =	stream.linear.gather [hbm4b:s4+s3], $0x28A0, $0x38;
	[tilespmem:$0x1EDC0] =	vst v63  }
0x13: {  	_ =	swait.ge [sflag:s10], $0x28A0  }
0x14: {  	[sflag:s10] =	ssyncset.done $0x0  }
0x15: {  	[sflag:s10] =	ssyncadd.s32 $0xFFFFD760  }
0x16: {  	[tilespmem:s11], [sflag:$0x3] =	stream.linear.gather [hbm4b:s5+s3], $0x28A0, $0x38;
	[tilespmem:$0x1EDC0] =	vst v63  }
0x17: {  	_ =	swait.ge [sflag:s10], $0x28A0  }
0x18: {  	[sflag:s10] =	ssyncset.done $0x0  }
0x19: {  	[sflag:s10] =	ssyncadd.s32 $0xFFFFD760  }
0x1a: {  	[spmem:s13], [sflag:s12] =	dma.local [hbm:s6], $0x2710  }
0x1b: {  	_ =	swait.ge [sflag:s10], $0x2710  }
0x1c: {  	[sflag:s10] =	ssyncset.done $0x0  }
0x1d: {  	[sflag:s10] =	ssyncadd.s32 $0xFFFFD8F0  }
0x1e: {  	[bflag:$0x0] =	sbarrier.arrive $0xFFFF  }
0x1f: {  	[tilespmem:s15], [sflag:$0x1] =	stream.indirect.gather [hbm4b:s7+s14], $0x80, s3, s14, $0xb8;
	[tilespmem:$0x1EDC0] =	vst v63  }
0x20: {  	_ = 	snop  }
0x21: {  	[tilespmem:s17], [sflag:$0x2] =	stream.indirect.gather [hbm4b:s7+s14], $0x80, s16, s14, $0xb8;
	[tilespmem:$0x1EDC0] =	vst v63  }
0x22: {  	_ =	swait.ge [sflag:s18], $0x3200  }
0x23: {  	[sflag:s18] =	ssyncset.done $0x0  }
0x24: {  	s23 =	simm.s32 $0x28A0;
	[sflag:s18] =	ssyncadd.s32 $0xFFFFCE00  }
0x25: {  	[spmem:s1] =	stream.indirect.scatter.add.f32 [tilespmem:s15], [sflag:$0x3], $0x80, s23, s14, $0xb8;
	[tilespmem:$0x1EDC0] =	vst v63  }
0x26: {  	_ =	swait.ge [sflag:s10], $0x3200  }
0x27: {  	[sflag:s10] =	ssyncset.done $0x0  }
0x28: {  	s30 =	simm.s32 $0xD0;
	[sflag:s10] =	ssyncadd.s32 $0xFFFFCE00  }
0x29: {  	[tilespmem:s15], [sflag:$0x1] =	stream.indirect.gather [hbm4b:s7+s14], $0x80, s30, s14, $0xb8;
	[tilespmem:$0x1EDC0] =	vst v63  }
0x2a: {  	_ =	swait.ge [sflag:s19], $0x3200  }
0x2b: {  	[sflag:s19] =	ssyncset.done $0x0  }
0x2c: {  	s31 =	simm.s32 $0x2908;
	[sflag:s19] =	ssyncadd.s32 $0xFFFFCE00  }
0x2d: {  	[spmem:s1] =	stream.indirect.scatter.add.f32 [tilespmem:s17], [sflag:$0x3], $0x80, s31, s14, $0xb8;
	[tilespmem:$0x1EDC0] =	vst v63  }
0x2e: {  	_ =	swait.ge [sflag:s10], $0x3200  }
0x2f: {  	[sflag:s10] =	ssyncset.done $0x0  }
0x30: {  	s24 =	simm.s32 $0x138;
	s23 =	simm.s32 $0x340;
	[sflag:s10] =	ssyncadd.s32 $0xFFFFCE00  }
.LBB2_2:
0x31: {  	[tilespmem:s17], [sflag:$0x2] =	stream.indirect.gather [hbm4b:s7+s14], $0x80, s24, s14, $0xb8;
	[tilespmem:$0x1EDC0] =	vst v63  }
0x32: {  	s24 =	smov.u32 s23  }
0x33: {  	p0 =	sne.s32 s23, $0x9C00;
	s23 =	sadd.s32 $0x340, s23;
	_ =	swait.ge [sflag:s18], $0x3200  }
0x34: {  	s24 =	sshra.s32 s24, $0x2;
	[sflag:s18] =	ssyncset.done $0x0  }
0x35: {  	s25 =	sadd.s32 $0x28A0, s24;
	[sflag:s18] =	ssyncadd.s32 $0xFFFFCE00  }
0x36: {  	[spmem:s1] =	stream.indirect.scatter.add.f32 [tilespmem:s15], [sflag:$0x3], $0x80, s25, s14, $0xb8;
	[tilespmem:$0x1EDC0] =	vst v63  }
0x37: {  	_ =	swait.ge [sflag:s10], $0x3200  }
0x38: {  	[sflag:s10] =	ssyncset.done $0x0  }
0x39: {  	s25 =	sadd.s32 $0xD0, s24;
	[sflag:s10] =	ssyncadd.s32 $0xFFFFCE00  }
0x3a: {  	[tilespmem:s15], [sflag:$0x1] =	stream.indirect.gather [hbm4b:s7+s14], $0x80, s25, s14, $0xb8;
	[tilespmem:$0x1EDC0] =	vst v63  }
0x3b: {  	_ =	swait.ge [sflag:s19], $0x3200  }
0x3c: {  	[sflag:s19] =	ssyncset.done $0x0  }
.Ltmp0:
0x3d: {  	s25 =	sadd.s32 $0x2908, s24;
	[sflag:s19] =	ssyncadd.s32 $0xFFFFCE00;
	(pc) =	sbr.rel @p0 .LBB2_2-.Ltmp0, $4  }
0x3e: {  	[spmem:s1] =	stream.indirect.scatter.add.f32 [tilespmem:s17], [sflag:$0x3], $0x80, s25, s14, $0xb8;
	[tilespmem:$0x1EDC0] =	vst v63  }
0x3f: {  	_ =	swait.ge [sflag:s10], $0x3200  }
0x40: {  	[sflag:s10] =	ssyncset.done $0x0  }
0x41: {  	s24 =	sadd.s32 $0x138, s24;
	[sflag:s10] =	ssyncadd.s32 $0xFFFFCE00  }
0x42: {  	[tilespmem:s17], [sflag:$0x2] =	stream.indirect.gather [hbm4b:s7+s14], $0x80, s24, s14, $0xb8;
	[tilespmem:$0x1EDC0] =	vst v63  }
0x43: {  	_ =	swait.ge [sflag:s18], $0x3200  }
0x44: {  	[sflag:s18] =	ssyncset.done $0x0  }
0x45: {  	[sflag:s18] =	ssyncadd.s32 $0xFFFFCE00  }
0x46: {  	[spmem:s1] =	stream.indirect.scatter.add.f32 [tilespmem:s15], [sflag:$0x3], $0x80, s20, s14, $0xb8;
	[tilespmem:$0x1EDC0] =	vst v63  }
0x47: {  	_ =	swait.ge [sflag:s10], $0x3200  }
0x48: {  	[sflag:s10] =	ssyncset.done $0x0  }
0x49: {  	[sflag:s10] =	ssyncadd.s32 $0xFFFFCE00  }
0x4a: {  	_ =	swait.ge [sflag:s19], $0x3200  }
0x4b: {  	[sflag:s19] =	ssyncset.done $0x0  }
0x4c: {  	[sflag:s19] =	ssyncadd.s32 $0xFFFFCE00  }
0x4d: {  	[spmem:s1] =	stream.indirect.scatter.add.f32 [tilespmem:s17], [sflag:$0x3], $0x80, s21, s14, $0xb8;
	[tilespmem:$0x1EDC0] =	vst v63  }
0x4e: {  	_ =	swait.ge [sflag:s10], $0x3200  }
0x4f: {  	s22 =	sadd.s32 $0x1, s22;
	[sflag:s10] =	ssyncset.done $0x0  }
0x50: {  	p0 =	sne.s32 s22, s9;
	[sflag:s10] =	ssyncadd.s32 $0xFFFFCE00  }
.Ltmp1:
0x51: {  	[bflag:$0x0] =	sbarrier.arrive $0xFFFF;
	(pc) =	sbr.rel @p0 .LBB2_1-.Ltmp1, $4  }
0x52: {  	[hbm:s8], [sflag:s12] =	dma.local [spmem:s13], $0x2710  }
0x53: {  	_ =	swait.ge [sflag:s10], $0x2710  }
0x54: {  	[sflag:s10] =	ssyncset.done $0x0  }
0x55: {  	[sflag:s10] =	ssyncadd.s32 $0xFFFFD8F0  }
0x56: {  	_ =	sfence.sel $0x180000  }
0x57: {  	[bflag:$0x0] =	sbarrier.arrive $0xFFFF  }
0x58: {  	p0 =	sne.s32 s2, $0x0;
	_ =	strace $0x9000004A  }
0x59: {  	s0 =	sadd.s32 @!p0 $0x100000, s0;
	[bflag:$0x2] =	sbarrier.arrive $0xFFFF  }
0x5a: {  	[sflag:s0] =	ssyncadd.tile.s32 @!p0 $0x1;
	_ =	shalt  }
.Lfunc_end2:
_tile_overlayer_lowered:
.L_overlay_start_2:
0x5b: {  	(tag) =	ssettag $0x2  }
0x5c: {  	s0 =	rddreg [dreg:$0x0];
	s2 =	stileid.u32  }
0x5d: {  	s1 =	rddreg [dreg:$0x1];
	p0 =	sne.s32 s2, $0x0  }
0x5e: {  	s3 =	rddreg [dreg:$0x2];
	[bflag:$0x3] =	sbarrier.arrive $0xFFFF;
	s2 =	simm.s32 @!p0 $0x1C03  }
0x5f: {  	[timem:s3], [sflag:s2] =	dma.local @!p0 [hbm:s0], s1  }
0x60: {  	s0 =	simm.s32 @!p0 $0x3  }
0x61: {  	_ =	swait.ge @!p0 [sflag:s0], s1  }
0x62: {  	s1 =	ssub.s32 @!p0 $0x0, s1;
	[sflag:s0] =	ssyncset.done @!p0 $0x0  }
0x63: {  	[sflag:s0] =	ssyncadd.s32 @!p0 s1  }
0x64: {  	[bflag:$0x3] =	sbarrier.arrive $0xFFFF  }
0x65: {  	_ =	shalt  }

// kernel: kernel.16.cloned.1.call-start
scs
__scs_entry_jumppad:
0x0: {  	(pc) =	sbr.rel $0x88, $3  }
0x1: {  	(tag) =	ssettag $0x0;
	lr =	simm.s32 $0x1  }
0x2: {  	[smem:$0x3F99] =	sst lr;
	_ =	strace $0xD0000000  }
0x3: {  	_ = 	snop  }
0x4: {  	_ = 	snop  }
0x5: {  	_ = 	snop  }
0x6: {  	_ = 	snop  }
0x7: {  	_ = 	snop  }
__scs_overlays_trampoline_lowered:
0x8: {  	[smem:$0x3FA8] =	sst s0  }
0x9: {  	[smem:$0x3FA9] =	sst s1  }
0xa: {  	[smem:$0x3FAA] =	sst s2  }
0xb: {  	[smem:$0x3FAB] =	sst s3  }
0xc: {  	[smem:$0x3FAC] =	sst s4  }
0xd: {  	[smem:$0x3FAD] =	sst s5  }
0xe: {  	[smem:$0x3FAE] =	sst s6  }
0xf: {  	[smem:$0x3FAF] =	sst s7  }
0x10: {  	[smem:$0x3FB0] =	sst s8  }
0x11: {  	[smem:$0x3FB1] =	sst s9;
	s0 =	simm.s32 @!p0 $0x0  }
0x12: {  	s1 =	sld [smem:$0x3F97];
	s0 =	simm.s32 @p0 $0x1  }
0x13: {  	[smem:$0x3FB2] =	sst s0;
	s0 =	simm.s32 @!p1 $0x0  }
0x14: {  	s2 =	sld [smem:$0x3F96];
	s0 =	simm.s32 @p1 $0x1  }
0x15: {  	[smem:$0x3FB3] =	sst s0;
	s0 =	simm.s32 @!p2 $0x0  }
0x16: {  	s3 =	sld [smem:$0x3FDB];
	s0 =	simm.s32 @p2 $0x1  }
0x17: {  	s4 =	simm.s32 $0x1BF5;
	[smem:$0x3FB5] =	sst s0  }
0x18: {  	s0 =	sld [smem:$0x3F98];
	_ =	swait.ge [sflag:s4], $0x0  }
0x19: {  	s7 =	sld [smem:$0x3F99]  }
0x1a: {  	s8 =	sadd.s32 $0xFFFFE003, lr  }
0x1b: {  	s9 =	sadd.s32 $0xFFFFFEF7, lr;
	s5 =	simm.s32 $0xFFFFFFFF;
	p2 =	slt.u32 s8, $0xFFFFF086  }
0x1c: {  	p1 =	slt.u32 s9, $0xF7A;
	s5 =	simm.s32 @!p2 $0x0  }
0x1d: {  	s5 =	simm.s32 @p1 $0x1;
	p0 =	seq.s32 s7, s2  }
0x1e: {  	s7 =	smul.u32 @!p0 $0xF7A, s2;
	p2 =	seq.s32 @!p0 s5, $0x0  }
0x1f: {  	s9 =	smul.u32 $0xF7A, s1;
	s8 =	simm.s32 @!p0 $0x1BF5;
	p2 =	por !p2, p0  }
0x20: {  	[sflag:s8] =	ssyncset.s32 @!p0 $0xFFFFF086;
	s6 =	sadd.s32 @!p0 s3, s7;
	s7 =	simm.s32 @!p0 $0x108  }
0x21: {  	s3 =	sadd.s32 s3, s9;
	s6 =	sadd.s32 @!p0 $0x88, s6;
	s7 =	simm.s32 @p2 $0x1082  }
0x22: {  	[simem:s7], [sflag:s8] =	dma.local @!p0 [hbm:s6], $0xF7A  }
0x23: {  	s9 =	sor.u32 $0xD0000000, s2;
	s6 =	simm.s32 $0x108;
	_ =	swait.ge @!p0 [sflag:s8], $0x0  }
0x24: {  	s3 =	sadd.s32 $0x88, s3;
	s6 =	simm.s32 @!p1 $0x1082;
	[sflag:s4] =	ssyncset.s32 $0xFFFFF086  }
0x25: {  	[simem:s6], [sflag:s4] =	dma.local [hbm:s3], $0xF7A  }
0x26: {  	[smem:$0x3F99] =	sst s1;
	(tag) =	ssettag s2;
	_ =	strace s9  }
0x27: {  	s1 =	sld [smem:$0x3FA9]  }
0x28: {  	s2 =	sld [smem:$0x3FAA]  }
0x29: {  	s4 =	sld [smem:$0x3FAC]  }
0x2a: {  	p0 =	seq.s32 s5, $0x0;
	s5 =	sld [smem:$0x3FAD]  }
0x2b: {  	s6 =	sld [smem:$0x3FAE]  }
0x2c: {  	s7 =	sld [smem:$0x3FAF]  }
0x2d: {  	s3 =	simm.s32 $0x108;
	s8 =	sld [smem:$0x3FB0]  }
0x2e: {  	s3 =	simm.s32 @!p0 $0x1082;
	s9 =	sld [smem:$0x3FB1]  }
0x2f: {  	lr =	sadd.s32 s0, s3;
	s0 =	sld [smem:$0x3FA8]  }
0x30: {  	s3 =	sld [smem:$0x3FAB]  }
0x31: {  	[smem:$0x3FB4] =	sst s10  }
0x32: {  	s10 =	sld [smem:$0x3FB2];
	_ =	sdelay $0x3  }
0x33: {  	p0 =	seq.s32 s10, $0x1;
	s10 =	sld [smem:$0x3FB4];
	_ =	sdelay $0x3  }
0x34: {  	[smem:$0x3FB4] =	sst s10  }
0x35: {  	s10 =	sld [smem:$0x3FB3];
	_ =	sdelay $0x3  }
0x36: {  	p1 =	seq.s32 s10, $0x1;
	s10 =	sld [smem:$0x3FB4];
	_ =	sdelay $0x3  }
0x37: {  	[smem:$0x3FB4] =	sst s10  }
0x38: {  	s10 =	sld [smem:$0x3FB5]  }
0x39: {  	_ = 	snop;
	(pc) =	sbr.ind lr, $3  }
0x3a: {  	_ = 	snop  }
0x3b: {  	_ = 	snop  }
0x3c: {  	p2 =	seq.s32 s10, $0x1;
	s10 =	sld [smem:$0x3FB4]  }
0x3d: {  	_ =	shalt  }
0x3e: {  	_ =	shalt  }
0x3f: {  	_ =	shalt  }
0x40: {  	_ =	shalt  }
0x41: {  	_ =	shalt  }
0x42: {  	_ =	shalt  }
0x43: {  	_ =	shalt  }
0x44: {  	_ =	shalt  }
0x45: {  	_ =	shalt  }
0x46: {  	_ =	shalt  }
0x47: {  	_ =	shalt  }
0x48: {  	_ =	shalt  }
0x49: {  	_ =	shalt  }
0x4a: {  	_ =	shalt  }
0x4b: {  	_ =	shalt  }
0x4c: {  	_ =	shalt  }
0x4d: {  	_ =	shalt  }
0x4e: {  	_ =	shalt  }
0x4f: {  	_ =	shalt  }
0x50: {  	_ =	shalt  }
0x51: {  	_ =	shalt  }
0x52: {  	_ =	shalt  }
0x53: {  	_ =	shalt  }
0x54: {  	_ =	shalt  }
0x55: {  	_ =	shalt  }
0x56: {  	_ =	shalt  }
0x57: {  	_ =	shalt  }
0x58: {  	_ =	shalt  }
0x59: {  	_ =	shalt  }
0x5a: {  	_ =	shalt  }
0x5b: {  	_ =	shalt  }
0x5c: {  	_ =	shalt  }
0x5d: {  	_ =	shalt  }
0x5e: {  	_ =	shalt  }
0x5f: {  	_ =	shalt  }
0x60: {  	_ =	shalt  }
0x61: {  	_ =	shalt  }
0x62: {  	_ =	shalt  }
0x63: {  	_ =	shalt  }
0x64: {  	_ =	shalt  }
0x65: {  	_ =	shalt  }
0x66: {  	_ =	shalt  }
0x67: {  	_ =	shalt  }
0x68: {  	_ =	shalt  }
0x69: {  	_ =	shalt  }
0x6a: {  	_ =	shalt  }
0x6b: {  	_ =	shalt  }
0x6c: {  	_ =	shalt  }
0x6d: {  	_ =	shalt  }
0x6e: {  	_ =	shalt  }
0x6f: {  	_ =	shalt  }
0x70: {  	_ =	shalt  }
0x71: {  	_ =	shalt  }
0x72: {  	_ =	shalt  }
0x73: {  	_ =	shalt  }
0x74: {  	_ =	shalt  }
0x75: {  	_ =	shalt  }
0x76: {  	_ =	shalt  }
0x77: {  	_ =	shalt  }
0x78: {  	_ =	shalt  }
0x79: {  	_ =	shalt  }
0x7a: {  	_ =	shalt  }
0x7b: {  	_ =	shalt  }
0x7c: {  	_ =	shalt  }
0x7d: {  	_ =	shalt  }
0x7e: {  	_ =	shalt  }
0x7f: {  	_ =	shalt  }
0x80: {  	_ =	shalt  }
0x81: {  	_ =	shalt  }
0x82: {  	_ =	shalt  }
0x83: {  	_ =	shalt  }
0x84: {  	_ =	shalt  }
0x85: {  	_ =	shalt  }
0x86: {  	_ =	shalt  }
0x87: {  	_ =	shalt  }
.Lfunc_end0:
.L_simem_size_0:
called_computation.2_lowered:
.L_overlay_start_0:
0x88: {  	s2 =	sld [smem:$0x3FD9]  }
0x89: {  	s3 =	sld [smem:$0x3FFE];
	_ =	sdelay $0x1  }
0x8a: {  	s1 =	srdreg.scid  }
0x8b: {  	s0 =	sand.u32 $0x1, s1  }
0x8c: {  	s17 =	sshll.u32 s0, $0xA;
	s2 =	sadd.s32 s3, s2  }
0x8d: {  	s2 =	sadd.s32 s2, s17  }
0x8e: {  	[smem:$0x3FC0] =	sst s2  }
0x8f: {  	_ = 	snop  }
0x90: {  	s2 =	sld [smem:$0x3FD0];
	(tm) =	ssettm $0x1  }
0x91: {  	s18 =	sld [smem:$0x3FFB];
	_ =	sdelay $0x3  }
0x92: {  	_ =	strace s18  }
0x93: {  	s3 =	sld [smem:$0x3FFC];
	_ =	sdelay $0x3  }
0x94: {  	_ =	strace s3  }
0x95: {  	s3 =	sld [smem:$0x3FFD];
	_ =	sdelay $0x3  }
0x96: {  	_ =	strace s3  }
0x97: {  	_ =	strace $0x8FFFFFFF  }
0x98: {  	s19 =	sld [smem:$0x3FDB];
	_ =	sdelay $0x1  }
0x99: {  	s4 =	simm.s32 $_scs_section_size  }
0x9a: {  	s5 =	simm.s32 $_size__tile_overlayer_lowered;
	s6 =	simm.s32 $_tile_overlayer_lowered  }
0x9b: {  	s22 =	simm.s32 $0x1BFF;
	s21 =	sshll.u32 s6, $0x1;
	s3 =	sadd.s32 s4, s19  }
0x9c: {  	s7 =	simm.s32 $0x0;
	s20 =	sshll.u32 s5, $0x1;
	s5 =	sadd.s32 s21, s3  }
0x9d: {  	[timem:s7], [sflag:s22] =	dma.local [hbm:s5], s20  }
0x9e: {  	_ =	swait.ge [sflag:s22], s20  }
0x9f: {  	s4 =	ssub.s32 $0x0, s20;
	[sflag:s22] =	ssyncset.done $0x0  }
0xa0: {  	[sflag:s22] =	ssyncadd.s32 s4;
	_ =	sdelay $0x1  }
0xa1: {  	s23 =	simm.s32 $0x1B8B  }
0xa2: {  	_ =	swait.ge [sflag:s23], $0x1  }
0xa3: {  	[sflag:s23] =	ssyncset.done $0x0  }
0xa4: {  	s25 =	simm.s32 $0x1B8E;
	s24 =	sld [smem:$0x3FFE];
	[sflag:s23] =	ssyncadd.s32 $0xFFFFFFFF  }
0xa5: {  	s26 =	simm.s32 $execute0_lowered;
	[smem:$0x3FD2] =	sst s25  }
0xa6: {  	s5 =	sshll.u32 s26, $0x1;
	_ =	strace $0x8000004C;
	[dreg:$0x1] =	wrdreg $0xFFFFFFFF  }
0xa7: {  	s28 =	simm.s32 $_size_execute0_lowered;
	s3 =	sadd.s32 s3, s5;
	[dreg:$0x0] =	wrdreg $0x0  }
0xa8: {  	s5 =	sshll.u32 s28, $0x1;
	[dreg:$0x2] =	wrdreg s3  }
0xa9: {  	[dreg:$0x3] =	wrdreg s5  }
0xaa: {  	[dreg:$0x4] =	wrdreg $0xC0  }
0xab: {  	_ =	task [dreg:s7], $0x5FFFF  }
0xac: {  	[dreg:$0x1] =	wrdreg $0xFFFFFFFF  }
0xad: {  	[dreg:$0x0] =	wrdreg $0x60  }
0xae: {  	[dreg:$0x2] =	wrdreg s24  }
0xaf: {  	[dreg:$0x3] =	wrdreg s2  }
0xb0: {  	[dreg:$0x4] =	wrdreg $0xB5400  }
0xb1: {  	[dreg:$0x5] =	wrdreg $0x9  }
0xb2: {  	_ =	task.clear_ibuf [dreg:s7], $0x6FFFF;
	_ =	strace $0x9000004C  }
0xb3: {  	s29 =	simm.s32 $0x9;
	_ =	strace $0x8000004E  }
0xb4: {  	_ =	swait.ge [sflag:s29], $0x1  }
0xb5: {  	[sflag:s29] =	ssyncadd.s32 $0xFFFFFFFF  }
0xb6: {  	_ =	strace $0x9000004E  }
0xb7: {  	_ =	sfence  }
0xb8: {  	s30 =	sld [smem:$0x0];
	_ =	sdelay $0x2  }
0xb9: {  	s31 =	sshll.u32 s1, $0xD;
	s1 =	sshrl.u32 s1, $0x2  }
0xba: {  	s3 =	sand.u32 $0x4000, s31;
	s1 =	sadd.s32 s1, s30  }
0xbb: {  	s0 =	sor.u32 s3, s0;
	s1 =	sshll.u32 s1, $0x11  }
0xbc: {  	s0 =	sor.u32 s1, s0  }
0xbd: {  	s0 =	sadd.s32 $0x8F2B, s0  }
0xbe: {  	[sflag:s0] =	ssyncadd.remote.s32 $0x1  }
0xbf: {  	_ =	sfence.sel $0xFFFF  }
0xc0: {  	[dreg:$0x0] =	wrdreg $0xFFFFFFFF;
	(pc) =	sbr.abs _section_cstart, $3  }
0xc1: {  	[dreg:$0x1] =	wrdreg $0xFFFFFFFF  }
0xc2: {  	_ =	task.clear_ibuf [dreg:s7], $0x2FFFF;
	_ =	strace $0x9FFFFFFF  }
0xc3: {  	(tm) =	ssettm $0x7FFFFFFF  }
tec
execute0_lowered:
.L_overlay_start_1:
0x0: {  	(tag) =	ssettag $0x1  }
0x1: {  	s4 =	rddreg [dreg:$0x0]  }
0x2: {  	s5 =	rddreg [dreg:$0x1]  }
0x3: {  	s1 =	rddreg [dreg:$0x2]  }
0x4: {  	s2 =	srdreg.scid;
	s0 =	rddreg [dreg:$0x3];
	s3 =	simm.s32 $0x0  }
0x5: {  	s14 =	simm.s32 $0x64;
	s15 =	simm.s32 $0x5140;
	s16 =	simm.s32 $0x68  }
0x6: {  	s17 =	simm.s32 $0x8340;
	s18 =	simm.s32 $0x1;
	s19 =	simm.s32 $0x2  }
0x7: {  	s20 =	simm.s32 $0x5070;
	s6 =	sand.u32 $0x1, s2;
	s2 =	stileid.u32  }
0x8: {  	s21 =	simm.s32 $0x50D8;
	[smem:$0x7FF] =	sst s3;
	s7 =	smul.u32 $0x140000, s6  }
0x9: {  	s22 =	simm.s32 $0x0;
	s8 =	smul.u32 $0x13880, s2;
	_ =	strace $0x8000004D  }
0xa: {  	s11 =	smul.u32 $0x28A0, s2;
	s6 =	ssub.s32 $0x2, s6;
	s31 =	sshll.u32 s2, $0x6  }
0xb: {  	s29 =	sshrl.u32 s6, $0x1;
	s9 =	sshrl.u32 s7, $0x3;
	s10 =	sshrl.u32 s8, $0x3  }
0xc: {  	s7 =	sadd.s32 s8, s7;
	s11 =	sshrl.u32 s11, $0x3;
	s30 =	ssub.s32 s6, s29  }
0xd: {  	s13 =	sadd.s32 s8, s1;
	s9 =	sadd.s32 s9, s4;
	s7 =	sshrl.u32 s7, $0x3  }
0xe: {  	s10 =	sadd.s32 s10, s4;
	s13 =	sshrl.u32 s13, $0x3;
	s12 =	sadd.s32 s7, s4  }
0xf: {  	s4 =	sadd.s32 s5, s11;
	s6 =	sadd.s32 $0x53400, s10;
	s7 =	sadd.s32 $0x3400, s9  }
0x10: {  	s9 =	smax.u32 s30, $0x1;
	s10 =	simm.s32 $0x3;
	s11 =	simm.s32 $0x28A0  }
0x11: {  	s5 =	sadd.s32 $0x5140, s4;
	s8 =	sadd.s32 $0x7A600, s12;
	s12 =	sor.u32 $0x1C03, s31  }
.LBB2_1:
0x12: {  	[tilespmem:s3], [sflag:$0x3] =	stream.linear.gather [hbm4b:s4+s3], $0x28A0, $0x38;
	[tilespmem:$0x1EDC0] =	vst v63  }
0x13: {  	_ =	swait.ge [sflag:s10], $0x28A0  }
0x14: {  	[sflag:s10] =	ssyncset.done $0x0  }
0x15: {  	[sflag:s10] =	ssyncadd.s32 $0xFFFFD760  }
0x16: {  	[tilespmem:s11], [sflag:$0x3] =	stream.linear.gather [hbm4b:s5+s3], $0x28A0, $0x38;
	[tilespmem:$0x1EDC0] =	vst v63  }
0x17: {  	_ =	swait.ge [sflag:s10], $0x28A0  }
0x18: {  	[sflag:s10] =	ssyncset.done $0x0  }
0x19: {  	[sflag:s10] =	ssyncadd.s32 $0xFFFFD760  }
0x1a: {  	[spmem:s13], [sflag:s12] =	dma.local [hbm:s6], $0x2710  }
0x1b: {  	_ =	swait.ge [sflag:s10], $0x2710  }
0x1c: {  	[sflag:s10] =	ssyncset.done $0x0  }
0x1d: {  	[sflag:s10] =	ssyncadd.s32 $0xFFFFD8F0  }
0x1e: {  	[bflag:$0x0] =	sbarrier.arrive $0xFFFF  }
0x1f: {  	[tilespmem:s15], [sflag:$0x1] =	stream.indirect.gather [hbm4b:s7+s14], $0x80, s3, s14, $0xb8;
	[tilespmem:$0x1EDC0] =	vst v63  }
0x20: {  	_ = 	snop  }
0x21: {  	[tilespmem:s17], [sflag:$0x2] =	stream.indirect.gather [hbm4b:s7+s14], $0x80, s16, s14, $0xb8;
	[tilespmem:$0x1EDC0] =	vst v63  }
0x22: {  	_ =	swait.ge [sflag:s18], $0x3200  }
0x23: {  	[sflag:s18] =	ssyncset.done $0x0  }
0x24: {  	s23 =	simm.s32 $0x28A0;
	[sflag:s18] =	ssyncadd.s32 $0xFFFFCE00  }
0x25: {  	[spmem:s1] =	stream.indirect.scatter.add.f32 [tilespmem:s15], [sflag:$0x3], $0x80, s23, s14, $0xb8;
	[tilespmem:$0x1EDC0] =	vst v63  }
0x26: {  	_ =	swait.ge [sflag:s10], $0x3200  }
0x27: {  	[sflag:s10] =	ssyncset.done $0x0  }
0x28: {  	s30 =	simm.s32 $0xD0;
	[sflag:s10] =	ssyncadd.s32 $0xFFFFCE00  }
0x29: {  	[tilespmem:s15], [sflag:$0x1] =	stream.indirect.gather [hbm4b:s7+s14], $0x80, s30, s14, $0xb8;
	[tilespmem:$0x1EDC0] =	vst v63  }
0x2a: {  	_ =	swait.ge [sflag:s19], $0x3200  }
0x2b: {  	[sflag:s19] =	ssyncset.done $0x0  }
0x2c: {  	s31 =	simm.s32 $0x2908;
	[sflag:s19] =	ssyncadd.s32 $0xFFFFCE00  }
0x2d: {  	[spmem:s1] =	stream.indirect.scatter.add.f32 [tilespmem:s17], [sflag:$0x3], $0x80, s31, s14, $0xb8;
	[tilespmem:$0x1EDC0] =	vst v63  }
0x2e: {  	_ =	swait.ge [sflag:s10], $0x3200  }
0x2f: {  	[sflag:s10] =	ssyncset.done $0x0  }
0x30: {  	s24 =	simm.s32 $0x138;
	s23 =	simm.s32 $0x340;
	[sflag:s10] =	ssyncadd.s32 $0xFFFFCE00  }
.LBB2_2:
0x31: {  	[tilespmem:s17], [sflag:$0x2] =	stream.indirect.gather [hbm4b:s7+s14], $0x80, s24, s14, $0xb8;
	[tilespmem:$0x1EDC0] =	vst v63  }
0x32: {  	s24 =	smov.u32 s23  }
0x33: {  	p0 =	sne.s32 s23, $0x9C00;
	s23 =	sadd.s32 $0x340, s23;
	_ =	swait.ge [sflag:s18], $0x3200  }
0x34: {  	s24 =	sshra.s32 s24, $0x2;
	[sflag:s18] =	ssyncset.done $0x0  }
0x35: {  	s25 =	sadd.s32 $0x28A0, s24;
	[sflag:s18] =	ssyncadd.s32 $0xFFFFCE00  }
0x36: {  	[spmem:s1] =	stream.indirect.scatter.add.f32 [tilespmem:s15], [sflag:$0x3], $0x80, s25, s14, $0xb8;
	[tilespmem:$0x1EDC0] =	vst v63  }
0x37: {  	_ =	swait.ge [sflag:s10], $0x3200  }
0x38: {  	[sflag:s10] =	ssyncset.done $0x0  }
0x39: {  	s25 =	sadd.s32 $0xD0, s24;
	[sflag:s10] =	ssyncadd.s32 $0xFFFFCE00  }
0x3a: {  	[tilespmem:s15], [sflag:$0x1] =	stream.indirect.gather [hbm4b:s7+s14], $0x80, s25, s14, $0xb8;
	[tilespmem:$0x1EDC0] =	vst v63  }
0x3b: {  	_ =	swait.ge [sflag:s19], $0x3200  }
0x3c: {  	[sflag:s19] =	ssyncset.done $0x0  }
.Ltmp0:
0x3d: {  	s25 =	sadd.s32 $0x2908, s24;
	[sflag:s19] =	ssyncadd.s32 $0xFFFFCE00;
	(pc) =	sbr.rel @p0 .LBB2_2-.Ltmp0, $4  }
0x3e: {  	[spmem:s1] =	stream.indirect.scatter.add.f32 [tilespmem:s17], [sflag:$0x3], $0x80, s25, s14, $0xb8;
	[tilespmem:$0x1EDC0] =	vst v63  }
0x3f: {  	_ =	swait.ge [sflag:s10], $0x3200  }
0x40: {  	[sflag:s10] =	ssyncset.done $0x0  }
0x41: {  	s24 =	sadd.s32 $0x138, s24;
	[sflag:s10] =	ssyncadd.s32 $0xFFFFCE00  }
0x42: {  	[tilespmem:s17], [sflag:$0x2] =	stream.indirect.gather [hbm4b:s7+s14], $0x80, s24, s14, $0xb8;
	[tilespmem:$0x1EDC0] =	vst v63  }
0x43: {  	_ =	swait.ge [sflag:s18], $0x3200  }
0x44: {  	[sflag:s18] =	ssyncset.done $0x0  }
0x45: {  	[sflag:s18] =	ssyncadd.s32 $0xFFFFCE00  }
0x46: {  	[spmem:s1] =	stream.indirect.scatter.add.f32 [tilespmem:s15], [sflag:$0x3], $0x80, s20, s14, $0xb8;
	[tilespmem:$0x1EDC0] =	vst v63  }
0x47: {  	_ =	swait.ge [sflag:s10], $0x3200  }
0x48: {  	[sflag:s10] =	ssyncset.done $0x0  }
0x49: {  	[sflag:s10] =	ssyncadd.s32 $0xFFFFCE00  }
0x4a: {  	_ =	swait.ge [sflag:s19], $0x3200  }
0x4b: {  	[sflag:s19] =	ssyncset.done $0x0  }
0x4c: {  	[sflag:s19] =	ssyncadd.s32 $0xFFFFCE00  }
0x4d: {  	[spmem:s1] =	stream.indirect.scatter.add.f32 [tilespmem:s17], [sflag:$0x3], $0x80, s21, s14, $0xb8;
	[tilespmem:$0x1EDC0] =	vst v63  }
0x4e: {  	_ =	swait.ge [sflag:s10], $0x3200  }
0x4f: {  	s22 =	sadd.s32 $0x1, s22;
	[sflag:s10] =	ssyncset.done $0x0  }
0x50: {  	p0 =	sne.s32 s22, s9;
	[sflag:s10] =	ssyncadd.s32 $0xFFFFCE00  }
.Ltmp1:
0x51: {  	[bflag:$0x0] =	sbarrier.arrive $0xFFFF;
	(pc) =	sbr.rel @p0 .LBB2_1-.Ltmp1, $4  }
0x52: {  	[hbm:s8], [sflag:s12] =	dma.local [spmem:s13], $0x2710  }
0x53: {  	_ =	swait.ge [sflag:s10], $0x2710  }
0x54: {  	[sflag:s10] =	ssyncset.done $0x0  }
0x55: {  	[sflag:s10] =	ssyncadd.s32 $0xFFFFD8F0  }
0x56: {  	_ =	sfence.sel $0x180000  }
0x57: {  	[bflag:$0x0] =	sbarrier.arrive $0xFFFF  }
0x58: {  	p0 =	sne.s32 s2, $0x0;
	_ =	strace $0x9000004D  }
0x59: {  	s0 =	sadd.s32 @!p0 $0x100000, s0;
	[bflag:$0x2] =	sbarrier.arrive $0xFFFF  }
0x5a: {  	[sflag:s0] =	ssyncadd.tile.s32 @!p0 $0x1;
	_ =	shalt  }
.Lfunc_end2:
_tile_overlayer_lowered:
.L_overlay_start_2:
0x5b: {  	(tag) =	ssettag $0x2  }
0x5c: {  	s0 =	rddreg [dreg:$0x0];
	s2 =	stileid.u32  }
0x5d: {  	s1 =	rddreg [dreg:$0x1];
	p0 =	sne.s32 s2, $0x0  }
0x5e: {  	s3 =	rddreg [dreg:$0x2];
	[bflag:$0x3] =	sbarrier.arrive $0xFFFF;
	s2 =	simm.s32 @!p0 $0x1C03  }
0x5f: {  	[timem:s3], [sflag:s2] =	dma.local @!p0 [hbm:s0], s1  }
0x60: {  	s0 =	simm.s32 @!p0 $0x3  }
0x61: {  	_ =	swait.ge @!p0 [sflag:s0], s1  }
0x62: {  	s1 =	ssub.s32 @!p0 $0x0, s1;
	[sflag:s0] =	ssyncset.done @!p0 $0x0  }
0x63: {  	[sflag:s0] =	ssyncadd.s32 @!p0 s1  }
0x64: {  	[bflag:$0x3] =	sbarrier.arrive $0xFFFF  }
0x65: {  	_ =	shalt  }

// kernel: kernel.19.cloned.1.call-start
scs
__scs_entry_jumppad:
0x0: {  	(pc) =	sbr.rel $0x88, $3  }
0x1: {  	(tag) =	ssettag $0x0;
	lr =	simm.s32 $0x1  }
0x2: {  	[smem:$0x3F99] =	sst lr;
	_ =	strace $0xD0000000  }
0x3: {  	_ = 	snop  }
0x4: {  	_ = 	snop  }
0x5: {  	_ = 	snop  }
0x6: {  	_ = 	snop  }
0x7: {  	_ = 	snop  }
__scs_overlays_trampoline_lowered:
0x8: {  	[smem:$0x3FA8] =	sst s0  }
0x9: {  	[smem:$0x3FA9] =	sst s1  }
0xa: {  	[smem:$0x3FAA] =	sst s2  }
0xb: {  	[smem:$0x3FAB] =	sst s3  }
0xc: {  	[smem:$0x3FAC] =	sst s4  }
0xd: {  	[smem:$0x3FAD] =	sst s5  }
0xe: {  	[smem:$0x3FAE] =	sst s6  }
0xf: {  	[smem:$0x3FAF] =	sst s7  }
0x10: {  	[smem:$0x3FB0] =	sst s8  }
0x11: {  	[smem:$0x3FB1] =	sst s9;
	s0 =	simm.s32 @!p0 $0x0  }
0x12: {  	s1 =	sld [smem:$0x3F97];
	s0 =	simm.s32 @p0 $0x1  }
0x13: {  	[smem:$0x3FB2] =	sst s0;
	s0 =	simm.s32 @!p1 $0x0  }
0x14: {  	s2 =	sld [smem:$0x3F96];
	s0 =	simm.s32 @p1 $0x1  }
0x15: {  	[smem:$0x3FB3] =	sst s0;
	s0 =	simm.s32 @!p2 $0x0  }
0x16: {  	s3 =	sld [smem:$0x3FDB];
	s0 =	simm.s32 @p2 $0x1  }
0x17: {  	s4 =	simm.s32 $0x1BF5;
	[smem:$0x3FB5] =	sst s0  }
0x18: {  	s0 =	sld [smem:$0x3F98];
	_ =	swait.ge [sflag:s4], $0x0  }
0x19: {  	s7 =	sld [smem:$0x3F99]  }
0x1a: {  	s8 =	sadd.s32 $0xFFFFE003, lr  }
0x1b: {  	s9 =	sadd.s32 $0xFFFFFEF7, lr;
	s5 =	simm.s32 $0xFFFFFFFF;
	p2 =	slt.u32 s8, $0xFFFFF086  }
0x1c: {  	p1 =	slt.u32 s9, $0xF7A;
	s5 =	simm.s32 @!p2 $0x0  }
0x1d: {  	s5 =	simm.s32 @p1 $0x1;
	p0 =	seq.s32 s7, s2  }
0x1e: {  	s7 =	smul.u32 @!p0 $0xF7A, s2;
	p2 =	seq.s32 @!p0 s5, $0x0  }
0x1f: {  	s9 =	smul.u32 $0xF7A, s1;
	s8 =	simm.s32 @!p0 $0x1BF5;
	p2 =	por !p2, p0  }
0x20: {  	[sflag:s8] =	ssyncset.s32 @!p0 $0xFFFFF086;
	s6 =	sadd.s32 @!p0 s3, s7;
	s7 =	simm.s32 @!p0 $0x108  }
0x21: {  	s3 =	sadd.s32 s3, s9;
	s6 =	sadd.s32 @!p0 $0x88, s6;
	s7 =	simm.s32 @p2 $0x1082  }
0x22: {  	[simem:s7], [sflag:s8] =	dma.local @!p0 [hbm:s6], $0xF7A  }
0x23: {  	s9 =	sor.u32 $0xD0000000, s2;
	s6 =	simm.s32 $0x108;
	_ =	swait.ge @!p0 [sflag:s8], $0x0  }
0x24: {  	s3 =	sadd.s32 $0x88, s3;
	s6 =	simm.s32 @!p1 $0x1082;
	[sflag:s4] =	ssyncset.s32 $0xFFFFF086  }
0x25: {  	[simem:s6], [sflag:s4] =	dma.local [hbm:s3], $0xF7A  }
0x26: {  	[smem:$0x3F99] =	sst s1;
	(tag) =	ssettag s2;
	_ =	strace s9  }
0x27: {  	s1 =	sld [smem:$0x3FA9]  }
0x28: {  	s2 =	sld [smem:$0x3FAA]  }
0x29: {  	s4 =	sld [smem:$0x3FAC]  }
0x2a: {  	p0 =	seq.s32 s5, $0x0;
	s5 =	sld [smem:$0x3FAD]  }
0x2b: {  	s6 =	sld [smem:$0x3FAE]  }
0x2c: {  	s7 =	sld [smem:$0x3FAF]  }
0x2d: {  	s3 =	simm.s32 $0x108;
	s8 =	sld [smem:$0x3FB0]  }
0x2e: {  	s3 =	simm.s32 @!p0 $0x1082;
	s9 =	sld [smem:$0x3FB1]  }
0x2f: {  	lr =	sadd.s32 s0, s3;
	s0 =	sld [smem:$0x3FA8]  }
0x30: {  	s3 =	sld [smem:$0x3FAB]  }
0x31: {  	[smem:$0x3FB4] =	sst s10  }
0x32: {  	s10 =	sld [smem:$0x3FB2];
	_ =	sdelay $0x3  }
0x33: {  	p0 =	seq.s32 s10, $0x1;
	s10 =	sld [smem:$0x3FB4];
	_ =	sdelay $0x3  }
0x34: {  	[smem:$0x3FB4] =	sst s10  }
0x35: {  	s10 =	sld [smem:$0x3FB3];
	_ =	sdelay $0x3  }
0x36: {  	p1 =	seq.s32 s10, $0x1;
	s10 =	sld [smem:$0x3FB4];
	_ =	sdelay $0x3  }
0x37: {  	[smem:$0x3FB4] =	sst s10  }
0x38: {  	s10 =	sld [smem:$0x3FB5]  }
0x39: {  	_ = 	snop;
	(pc) =	sbr.ind lr, $3  }
0x3a: {  	_ = 	snop  }
0x3b: {  	_ = 	snop  }
0x3c: {  	p2 =	seq.s32 s10, $0x1;
	s10 =	sld [smem:$0x3FB4]  }
0x3d: {  	_ =	shalt  }
0x3e: {  	_ =	shalt  }
0x3f: {  	_ =	shalt  }
0x40: {  	_ =	shalt  }
0x41: {  	_ =	shalt  }
0x42: {  	_ =	shalt  }
0x43: {  	_ =	shalt  }
0x44: {  	_ =	shalt  }
0x45: {  	_ =	shalt  }
0x46: {  	_ =	shalt  }
0x47: {  	_ =	shalt  }
0x48: {  	_ =	shalt  }
0x49: {  	_ =	shalt  }
0x4a: {  	_ =	shalt  }
0x4b: {  	_ =	shalt  }
0x4c: {  	_ =	shalt  }
0x4d: {  	_ =	shalt  }
0x4e: {  	_ =	shalt  }
0x4f: {  	_ =	shalt  }
0x50: {  	_ =	shalt  }
0x51: {  	_ =	shalt  }
0x52: {  	_ =	shalt  }
0x53: {  	_ =	shalt  }
0x54: {  	_ =	shalt  }
0x55: {  	_ =	shalt  }
0x56: {  	_ =	shalt  }
0x57: {  	_ =	shalt  }
0x58: {  	_ =	shalt  }
0x59: {  	_ =	shalt  }
0x5a: {  	_ =	shalt  }
0x5b: {  	_ =	shalt  }
0x5c: {  	_ =	shalt  }
0x5d: {  	_ =	shalt  }
0x5e: {  	_ =	shalt  }
0x5f: {  	_ =	shalt  }
0x60: {  	_ =	shalt  }
0x61: {  	_ =	shalt  }
0x62: {  	_ =	shalt  }
0x63: {  	_ =	shalt  }
0x64: {  	_ =	shalt  }
0x65: {  	_ =	shalt  }
0x66: {  	_ =	shalt  }
0x67: {  	_ =	shalt  }
0x68: {  	_ =	shalt  }
0x69: {  	_ =	shalt  }
0x6a: {  	_ =	shalt  }
0x6b: {  	_ =	shalt  }
0x6c: {  	_ =	shalt  }
0x6d: {  	_ =	shalt  }
0x6e: {  	_ =	shalt  }
0x6f: {  	_ =	shalt  }
0x70: {  	_ =	shalt  }
0x71: {  	_ =	shalt  }
0x72: {  	_ =	shalt  }
0x73: {  	_ =	shalt  }
0x74: {  	_ =	shalt  }
0x75: {  	_ =	shalt  }
0x76: {  	_ =	shalt  }
0x77: {  	_ =	shalt  }
0x78: {  	_ =	shalt  }
0x79: {  	_ =	shalt  }
0x7a: {  	_ =	shalt  }
0x7b: {  	_ =	shalt  }
0x7c: {  	_ =	shalt  }
0x7d: {  	_ =	shalt  }
0x7e: {  	_ =	shalt  }
0x7f: {  	_ =	shalt  }
0x80: {  	_ =	shalt  }
0x81: {  	_ =	shalt  }
0x82: {  	_ =	shalt  }
0x83: {  	_ =	shalt  }
0x84: {  	_ =	shalt  }
0x85: {  	_ =	shalt  }
0x86: {  	_ =	shalt  }
0x87: {  	_ =	shalt  }
.Lfunc_end0:
.L_simem_size_0:
called_computation.3_lowered:
.L_overlay_start_0:
0x88: {  	s2 =	sld [smem:$0x3FD9]  }
0x89: {  	s3 =	sld [smem:$0x3FFE];
	_ =	sdelay $0x1  }
0x8a: {  	s1 =	srdreg.scid  }
0x8b: {  	s0 =	sand.u32 $0x1, s1  }
0x8c: {  	s17 =	sshll.u32 s0, $0xA;
	s2 =	sadd.s32 s3, s2  }
0x8d: {  	s2 =	sadd.s32 s2, s17  }
0x8e: {  	[smem:$0x3FC0] =	sst s2  }
0x8f: {  	_ = 	snop  }
0x90: {  	s2 =	sld [smem:$0x3FD0];
	(tm) =	ssettm $0x1  }
0x91: {  	s18 =	sld [smem:$0x3FFB];
	_ =	sdelay $0x3  }
0x92: {  	_ =	strace s18  }
0x93: {  	s3 =	sld [smem:$0x3FFC];
	_ =	sdelay $0x3  }
0x94: {  	_ =	strace s3  }
0x95: {  	s3 =	sld [smem:$0x3FFD];
	_ =	sdelay $0x3  }
0x96: {  	_ =	strace s3  }
0x97: {  	_ =	strace $0x8FFFFFFF  }
0x98: {  	s19 =	sld [smem:$0x3FDB];
	_ =	sdelay $0x1  }
0x99: {  	s4 =	simm.s32 $_scs_section_size  }
0x9a: {  	s5 =	simm.s32 $_size__tile_overlayer_lowered;
	s6 =	simm.s32 $_tile_overlayer_lowered  }
0x9b: {  	s22 =	simm.s32 $0x1BFF;
	s21 =	sshll.u32 s6, $0x1;
	s3 =	sadd.s32 s4, s19  }
0x9c: {  	s7 =	simm.s32 $0x0;
	s20 =	sshll.u32 s5, $0x1;
	s5 =	sadd.s32 s21, s3  }
0x9d: {  	[timem:s7], [sflag:s22] =	dma.local [hbm:s5], s20  }
0x9e: {  	_ =	swait.ge [sflag:s22], s20  }
0x9f: {  	s4 =	ssub.s32 $0x0, s20;
	[sflag:s22] =	ssyncset.done $0x0  }
0xa0: {  	[sflag:s22] =	ssyncadd.s32 s4;
	_ =	sdelay $0x1  }
0xa1: {  	s23 =	simm.s32 $0x1B8B  }
0xa2: {  	_ =	swait.ge [sflag:s23], $0x1  }
0xa3: {  	[sflag:s23] =	ssyncset.done $0x0  }
0xa4: {  	s25 =	simm.s32 $0x1B8E;
	s24 =	sld [smem:$0x3FFE];
	[sflag:s23] =	ssyncadd.s32 $0xFFFFFFFF  }
0xa5: {  	s26 =	simm.s32 $execute0_lowered;
	[smem:$0x3FD2] =	sst s25  }
0xa6: {  	s5 =	sshll.u32 s26, $0x1;
	_ =	strace $0x8000004F;
	[dreg:$0x1] =	wrdreg $0xFFFFFFFF  }
0xa7: {  	s28 =	simm.s32 $_size_execute0_lowered;
	s3 =	sadd.s32 s3, s5;
	[dreg:$0x0] =	wrdreg $0x0  }
0xa8: {  	s5 =	sshll.u32 s28, $0x1;
	[dreg:$0x2] =	wrdreg s3  }
0xa9: {  	[dreg:$0x3] =	wrdreg s5  }
0xaa: {  	[dreg:$0x4] =	wrdreg $0xC0  }
0xab: {  	_ =	task [dreg:s7], $0x5FFFF  }
0xac: {  	[dreg:$0x1] =	wrdreg $0xFFFFFFFF  }
0xad: {  	[dreg:$0x0] =	wrdreg $0x60  }
0xae: {  	[dreg:$0x2] =	wrdreg s24  }
0xaf: {  	[dreg:$0x3] =	wrdreg s2  }
0xb0: {  	[dreg:$0x4] =	wrdreg $0x6A400  }
0xb1: {  	[dreg:$0x5] =	wrdreg $0x9  }
0xb2: {  	_ =	task.clear_ibuf [dreg:s7], $0x6FFFF;
	_ =	strace $0x9000004F  }
0xb3: {  	s29 =	simm.s32 $0x9;
	_ =	strace $0x80000051  }
0xb4: {  	_ =	swait.ge [sflag:s29], $0x1  }
0xb5: {  	[sflag:s29] =	ssyncadd.s32 $0xFFFFFFFF  }
0xb6: {  	_ =	strace $0x90000051  }
0xb7: {  	_ =	sfence  }
0xb8: {  	s30 =	sld [smem:$0x0];
	_ =	sdelay $0x2  }
0xb9: {  	s31 =	sshll.u32 s1, $0xD;
	s1 =	sshrl.u32 s1, $0x2  }
0xba: {  	s3 =	sand.u32 $0x4000, s31;
	s1 =	sadd.s32 s1, s30  }
0xbb: {  	s0 =	sor.u32 s3, s0;
	s1 =	sshll.u32 s1, $0x11  }
0xbc: {  	s0 =	sor.u32 s1, s0  }
0xbd: {  	s0 =	sadd.s32 $0x8F2B, s0  }
0xbe: {  	[sflag:s0] =	ssyncadd.remote.s32 $0x1  }
0xbf: {  	_ =	sfence.sel $0xFFFF  }
0xc0: {  	[dreg:$0x0] =	wrdreg $0xFFFFFFFF;
	(pc) =	sbr.abs _section_cstart, $3  }
0xc1: {  	[dreg:$0x1] =	wrdreg $0xFFFFFFFF  }
0xc2: {  	_ =	task.clear_ibuf [dreg:s7], $0x2FFFF;
	_ =	strace $0x9FFFFFFF  }
0xc3: {  	(tm) =	ssettm $0x7FFFFFFF  }
tec
execute0_lowered:
.L_overlay_start_1:
0x0: {  	(tag) =	ssettag $0x1  }
0x1: {  	s4 =	rddreg [dreg:$0x0]  }
0x2: {  	s5 =	rddreg [dreg:$0x1]  }
0x3: {  	s1 =	rddreg [dreg:$0x2]  }
0x4: {  	s2 =	srdreg.scid;
	s0 =	rddreg [dreg:$0x3];
	s3 =	simm.s32 $0x0  }
0x5: {  	s14 =	simm.s32 $0x64;
	s15 =	simm.s32 $0x5140;
	s16 =	simm.s32 $0x68  }
0x6: {  	s17 =	simm.s32 $0x5DC0;
	s18 =	simm.s32 $0x1;
	s19 =	simm.s32 $0x2  }
0x7: {  	s20 =	simm.s32 $0x5070;
	s6 =	sand.u32 $0x1, s2;
	s2 =	stileid.u32  }
0x8: {  	s21 =	simm.s32 $0x50D8;
	[smem:$0x7FF] =	sst s3;
	s7 =	smul.u32 $0x50000, s6  }
0x9: {  	s22 =	simm.s32 $0x0;
	s8 =	smul.u32 $0x4E20, s2;
	_ =	strace $0x80000050  }
0xa: {  	s11 =	smul.u32 $0x28A0, s2;
	s6 =	ssub.s32 $0x2, s6;
	s31 =	sshll.u32 s2, $0x6  }
0xb: {  	s29 =	sshrl.u32 s6, $0x1;
	s9 =	sshrl.u32 s7, $0x3;
	s10 =	sshrl.u32 s8, $0x3  }
0xc: {  	s7 =	sadd.s32 s8, s7;
	s11 =	sshrl.u32 s11, $0x3;
	s30 =	ssub.s32 s6, s29  }
0xd: {  	s13 =	sadd.s32 s8, s1;
	s9 =	sadd.s32 s9, s4;
	s7 =	sshrl.u32 s7, $0x3  }
0xe: {  	s10 =	sadd.s32 s10, s4;
	s13 =	sshrl.u32 s13, $0x3;
	s12 =	sadd.s32 s7, s4  }
0xf: {  	s4 =	sadd.s32 s5, s11;
	s6 =	sadd.s32 $0x17400, s10;
	s7 =	sadd.s32 $0x3400, s9  }
0x10: {  	s9 =	smax.u32 s30, $0x1;
	s10 =	simm.s32 $0x3;
	s11 =	simm.s32 $0x28A0  }
0x11: {  	s5 =	sadd.s32 $0x5140, s4;
	s8 =	sadd.s32 $0x21200, s12;
	s12 =	sor.u32 $0x1C03, s31  }
.LBB2_1:
0x12: {  	[tilespmem:s3], [sflag:$0x3] =	stream.linear.gather [hbm4b:s4+s3], $0x28A0, $0x38;
	[tilespmem:$0xB860] =	vst v63  }
0x13: {  	_ =	swait.ge [sflag:s10], $0x28A0  }
0x14: {  	[sflag:s10] =	ssyncset.done $0x0  }
0x15: {  	[sflag:s10] =	ssyncadd.s32 $0xFFFFD760  }
0x16: {  	[tilespmem:s11], [sflag:$0x3] =	stream.linear.gather [hbm4b:s5+s3], $0x28A0, $0x38;
	[tilespmem:$0xB860] =	vst v63  }
0x17: {  	_ =	swait.ge [sflag:s10], $0x28A0  }
0x18: {  	[sflag:s10] =	ssyncset.done $0x0  }
0x19: {  	[sflag:s10] =	ssyncadd.s32 $0xFFFFD760  }
0x1a: {  	[spmem:s13], [sflag:s12] =	dma.local [hbm:s6], $0x9C4  }
0x1b: {  	_ =	swait.ge [sflag:s10], $0x9C4  }
0x1c: {  	[sflag:s10] =	ssyncset.done $0x0  }
0x1d: {  	[sflag:s10] =	ssyncadd.s32 $0xFFFFF63C  }
0x1e: {  	[bflag:$0x0] =	sbarrier.arrive $0xFFFF  }
0x1f: {  	[tilespmem:s15], [sflag:$0x1] =	stream.indirect.gather [hbm4b:s7+s14], $0x20, s3, s14, $0xb8;
	[tilespmem:$0xB860] =	vst v63  }
0x20: {  	_ = 	snop  }
0x21: {  	[tilespmem:s17], [sflag:$0x2] =	stream.indirect.gather [hbm4b:s7+s14], $0x20, s16, s14, $0xb8;
	[tilespmem:$0xB860] =	vst v63  }
0x22: {  	_ =	swait.ge [sflag:s18], $0xC80  }
0x23: {  	[sflag:s18] =	ssyncset.done $0x0  }
0x24: {  	s23 =	simm.s32 $0x28A0;
	[sflag:s18] =	ssyncadd.s32 $0xFFFFF380  }
0x25: {  	[spmem:s1] =	stream.indirect.scatter.add.f32 [tilespmem:s15], [sflag:$0x3], $0x20, s23, s14, $0xb8;
	[tilespmem:$0xB860] =	vst v63  }
0x26: {  	_ =	swait.ge [sflag:s10], $0xC80  }
0x27: {  	[sflag:s10] =	ssyncset.done $0x0  }
0x28: {  	s30 =	simm.s32 $0xD0;
	[sflag:s10] =	ssyncadd.s32 $0xFFFFF380  }
0x29: {  	[tilespmem:s15], [sflag:$0x1] =	stream.indirect.gather [hbm4b:s7+s14], $0x20, s30, s14, $0xb8;
	[tilespmem:$0xB860] =	vst v63  }
0x2a: {  	_ =	swait.ge [sflag:s19], $0xC80  }
0x2b: {  	[sflag:s19] =	ssyncset.done $0x0  }
0x2c: {  	s31 =	simm.s32 $0x2908;
	[sflag:s19] =	ssyncadd.s32 $0xFFFFF380  }
0x2d: {  	[spmem:s1] =	stream.indirect.scatter.add.f32 [tilespmem:s17], [sflag:$0x3], $0x20, s31, s14, $0xb8;
	[tilespmem:$0xB860] =	vst v63  }
0x2e: {  	_ =	swait.ge [sflag:s10], $0xC80  }
0x2f: {  	[sflag:s10] =	ssyncset.done $0x0  }
0x30: {  	s24 =	simm.s32 $0x138;
	s23 =	simm.s32 $0x340;
	[sflag:s10] =	ssyncadd.s32 $0xFFFFF380  }
.LBB2_2:
0x31: {  	[tilespmem:s17], [sflag:$0x2] =	stream.indirect.gather [hbm4b:s7+s14], $0x20, s24, s14, $0xb8;
	[tilespmem:$0xB860] =	vst v63  }
0x32: {  	s24 =	smov.u32 s23  }
0x33: {  	p0 =	sne.s32 s23, $0x9C00;
	s23 =	sadd.s32 $0x340, s23;
	_ =	swait.ge [sflag:s18], $0xC80  }
0x34: {  	s24 =	sshra.s32 s24, $0x2;
	[sflag:s18] =	ssyncset.done $0x0  }
0x35: {  	s25 =	sadd.s32 $0x28A0, s24;
	[sflag:s18] =	ssyncadd.s32 $0xFFFFF380  }
0x36: {  	[spmem:s1] =	stream.indirect.scatter.add.f32 [tilespmem:s15], [sflag:$0x3], $0x20, s25, s14, $0xb8;
	[tilespmem:$0xB860] =	vst v63  }
0x37: {  	_ =	swait.ge [sflag:s10], $0xC80  }
0x38: {  	[sflag:s10] =	ssyncset.done $0x0  }
0x39: {  	s25 =	sadd.s32 $0xD0, s24;
	[sflag:s10] =	ssyncadd.s32 $0xFFFFF380  }
0x3a: {  	[tilespmem:s15], [sflag:$0x1] =	stream.indirect.gather [hbm4b:s7+s14], $0x20, s25, s14, $0xb8;
	[tilespmem:$0xB860] =	vst v63  }
0x3b: {  	_ =	swait.ge [sflag:s19], $0xC80  }
0x3c: {  	[sflag:s19] =	ssyncset.done $0x0  }
.Ltmp0:
0x3d: {  	s25 =	sadd.s32 $0x2908, s24;
	[sflag:s19] =	ssyncadd.s32 $0xFFFFF380;
	(pc) =	sbr.rel @p0 .LBB2_2-.Ltmp0, $4  }
0x3e: {  	[spmem:s1] =	stream.indirect.scatter.add.f32 [tilespmem:s17], [sflag:$0x3], $0x20, s25, s14, $0xb8;
	[tilespmem:$0xB860] =	vst v63  }
0x3f: {  	_ =	swait.ge [sflag:s10], $0xC80  }
0x40: {  	[sflag:s10] =	ssyncset.done $0x0  }
0x41: {  	s24 =	sadd.s32 $0x138, s24;
	[sflag:s10] =	ssyncadd.s32 $0xFFFFF380  }
0x42: {  	[tilespmem:s17], [sflag:$0x2] =	stream.indirect.gather [hbm4b:s7+s14], $0x20, s24, s14, $0xb8;
	[tilespmem:$0xB860] =	vst v63  }
0x43: {  	_ =	swait.ge [sflag:s18], $0xC80  }
0x44: {  	[sflag:s18] =	ssyncset.done $0x0  }
0x45: {  	[sflag:s18] =	ssyncadd.s32 $0xFFFFF380  }
0x46: {  	[spmem:s1] =	stream.indirect.scatter.add.f32 [tilespmem:s15], [sflag:$0x3], $0x20, s20, s14, $0xb8;
	[tilespmem:$0xB860] =	vst v63  }
0x47: {  	_ =	swait.ge [sflag:s10], $0xC80  }
0x48: {  	[sflag:s10] =	ssyncset.done $0x0  }
0x49: {  	[sflag:s10] =	ssyncadd.s32 $0xFFFFF380  }
0x4a: {  	_ =	swait.ge [sflag:s19], $0xC80  }
0x4b: {  	[sflag:s19] =	ssyncset.done $0x0  }
0x4c: {  	[sflag:s19] =	ssyncadd.s32 $0xFFFFF380  }
0x4d: {  	[spmem:s1] =	stream.indirect.scatter.add.f32 [tilespmem:s17], [sflag:$0x3], $0x20, s21, s14, $0xb8;
	[tilespmem:$0xB860] =	vst v63  }
0x4e: {  	_ =	swait.ge [sflag:s10], $0xC80  }
0x4f: {  	s22 =	sadd.s32 $0x1, s22;
	[sflag:s10] =	ssyncset.done $0x0  }
0x50: {  	p0 =	sne.s32 s22, s9;
	[sflag:s10] =	ssyncadd.s32 $0xFFFFF380  }
.Ltmp1:
0x51: {  	[bflag:$0x0] =	sbarrier.arrive $0xFFFF;
	(pc) =	sbr.rel @p0 .LBB2_1-.Ltmp1, $4  }
0x52: {  	[hbm:s8], [sflag:s12] =	dma.local [spmem:s13], $0x9C4  }
0x53: {  	_ =	swait.ge [sflag:s10], $0x9C4  }
0x54: {  	[sflag:s10] =	ssyncset.done $0x0  }
0x55: {  	[sflag:s10] =	ssyncadd.s32 $0xFFFFF63C  }
0x56: {  	_ =	sfence.sel $0x180000  }
0x57: {  	[bflag:$0x0] =	sbarrier.arrive $0xFFFF  }
0x58: {  	p0 =	sne.s32 s2, $0x0;
	_ =	strace $0x90000050  }
0x59: {  	s0 =	sadd.s32 @!p0 $0x100000, s0;
	[bflag:$0x2] =	sbarrier.arrive $0xFFFF  }
0x5a: {  	[sflag:s0] =	ssyncadd.tile.s32 @!p0 $0x1;
	_ =	shalt  }
.Lfunc_end2:
_tile_overlayer_lowered:
.L_overlay_start_2:
0x5b: {  	(tag) =	ssettag $0x2  }
0x5c: {  	s0 =	rddreg [dreg:$0x0];
	s2 =	stileid.u32  }
0x5d: {  	s1 =	rddreg [dreg:$0x1];
	p0 =	sne.s32 s2, $0x0  }
0x5e: {  	s3 =	rddreg [dreg:$0x2];
	[bflag:$0x3] =	sbarrier.arrive $0xFFFF;
	s2 =	simm.s32 @!p0 $0x1C03  }
0x5f: {  	[timem:s3], [sflag:s2] =	dma.local @!p0 [hbm:s0], s1  }
0x60: {  	s0 =	simm.s32 @!p0 $0x3  }
0x61: {  	_ =	swait.ge @!p0 [sflag:s0], s1  }
0x62: {  	s1 =	ssub.s32 @!p0 $0x0, s1;
	[sflag:s0] =	ssyncset.done @!p0 $0x0  }
0x63: {  	[sflag:s0] =	ssyncadd.s32 @!p0 s1  }
0x64: {  	[bflag:$0x3] =	sbarrier.arrive $0xFFFF  }
0x65: {  	_ =	shalt  }

</sc_bundles>
